<compile_context>
chip_gen: v7x
topology: tpu7x:2x2x1
jax: 0.10.2.dev20260603
libtpu: 0.0.44.dev20260713+nightly
codegen_flags: <defaults>
</compile_context>

<pallas_src>
import functools
import math

import jax
import jax.numpy as jnp
from jax.experimental import pallas as pl
from jax.experimental.pallas import tpu as pltpu

_B, _L, _D = 2, 16384, 256
_R = 4
_NQ = 1000
_NUM_LAYERS = 3
_D_FF = 256
_NUM_CLASSES = 3
_TILE = 2048
_N = _B * _L


def _inverse_sigmoid(x, eps=1e-5):
    x = jnp.clip(x, 0.0, 1.0)
    return jnp.log(jnp.clip(x, eps, None) / jnp.clip(1.0 - x, eps, None))


def _proposal_pos_embed(proposals, d_model):
    num_pos_feats = d_model // 2
    dim_t = jnp.arange(num_pos_feats, dtype=jnp.float32)
    dim_t = 10000.0 ** (2.0 * jnp.floor(dim_t / 2.0) / num_pos_feats)
    p = proposals * (2.0 * math.pi)
    pos = p[..., None] / dim_t
    pos = jnp.stack([jnp.sin(pos[..., 0::2]), jnp.cos(pos[..., 1::2])], axis=-1)
    return pos.reshape(pos.shape[0], pos.shape[1], -1)


_CSPEC = pl.BlockSpec((_D, _TILE), lambda i: (0, i))
_RWSPEC = pl.BlockSpec((_R, _TILE), lambda i: (0, i))


def _full_spec(a):
    return pl.BlockSpec(a.shape, lambda i: tuple(0 for _ in a.shape))


def _t_layer_body(x_ref, p_ref, w1_ref, b1_ref, w2_ref, b2_ref, out_ref):
    x = x_ref[...]
    h = x + p_ref[...]
    h = jnp.maximum(
        jnp.dot(w1_ref[...], h, preferred_element_type=jnp.float32)
        + b1_ref[...], 0.0)
    h = jnp.dot(w2_ref[...], h, preferred_element_type=jnp.float32) + b2_ref[...]
    out_ref[...] = x + h


def _t_final_body(x_ref, rwx_ref, rwy_ref, wc_ref, bc_ref, logit_ref):
    lg = jnp.dot(wc_ref[...], x_ref[...],
                 preferred_element_type=jnp.float32) + bc_ref[...]
    valid = ((rwx_ref[...] > 0.001) & (rwx_ref[...] < 0.999)
             & (rwy_ref[...] > 0.001) & (rwy_ref[...] < 0.999))
    logit_ref[...] = jnp.where(valid, lg, -65504.0)


def _t_ln(xt, g, b, eps=1e-5):
    mu = jnp.mean(xt, axis=0, keepdims=True)
    var = jnp.mean((xt - mu) ** 2, axis=0, keepdims=True)
    return (xt - mu) / jnp.sqrt(var + eps) * g[:, None] + b[:, None]


def _run_encoder(src, pos, ref_windows, params):
    lay = params['layers']
    grid = (_N // _TILE,)
    pt = jnp.transpose(pos.reshape(_N, _D))
    xt = jnp.transpose(src.reshape(_N, _D))

    for i in range(_NUM_LAYERS):
        lp = lay[i]
        w1t, b1c = jnp.transpose(lp['W1']), lp['b1'][:, None]
        w2t, b2c = jnp.transpose(lp['W2']), lp['b2'][:, None]
        xpre_t = pl.pallas_call(
            _t_layer_body,
            grid=grid,
            in_specs=[_CSPEC, _CSPEC, _full_spec(w1t), _full_spec(b1c),
                      _full_spec(w2t), _full_spec(b2c)],
            out_specs=_CSPEC,
            out_shape=jax.ShapeDtypeStruct((_D, _N), jnp.float32),
        )(xt, pt, w1t, b1c, w2t, b2c)
        xt = _t_ln(xpre_t, lp['g'], lp['b'])

    wct = jnp.transpose(params['cls']['W'][:, 0::_NUM_CLASSES])
    bcc = params['cls']['b'][0::_NUM_CLASSES][:, None]
    rwxt = jnp.transpose(ref_windows[..., 0].reshape(_N, _R))
    rwyt = jnp.transpose(ref_windows[..., 1].reshape(_N, _R))
    logit_t = pl.pallas_call(
        _t_final_body,
        grid=grid,
        in_specs=[_CSPEC, _RWSPEC, _RWSPEC, _full_spec(wct), _full_spec(bcc)],
        out_specs=_RWSPEC,
        out_shape=jax.ShapeDtypeStruct((_R, _N), jnp.float32),
    )(xt, rwxt, rwyt, wct, bcc)

    output = jnp.transpose(xt).reshape(_B, _L, _D)
    logits = jnp.transpose(logit_t).reshape(_B, _L * _R)
    return output, logits


def kernel(src, pos, src_shape, src_start_idx, ref_windows, params):
    output, logits = _run_encoder(src, pos, ref_windows, params)

    _, indexes = jax.lax.top_k(logits, _NQ)

    idx_e = indexes // _R
    rows = jnp.take_along_axis(
        output, jnp.broadcast_to(idx_e[:, :, None], (_B, _NQ, _D)), axis=1)

    hi = jax.lax.Precision.HIGHEST
    bb = params['bbox']
    rows2 = rows.reshape(_B * _NQ, _D)
    h = jnp.maximum(jnp.dot(rows2, bb['W1'], precision=hi) + bb['b1'], 0.0)
    h = jnp.maximum(jnp.dot(h, bb['W2'], precision=hi) + bb['b2'], 0.0)
    tmp = (jnp.dot(h, bb['W3'], precision=hi) + bb['b3']).reshape(_B, _NQ, _R, 7)
    r_sel = indexes % _R
    tmp_sel = jnp.take_along_axis(
        tmp, jnp.broadcast_to(r_sel[:, :, None, None], (_B, _NQ, 1, 7)),
        axis=2)[:, :, 0]

    rw_flat = ref_windows.reshape(_B, _L * _R, 5)
    rw_g = jnp.take_along_axis(
        rw_flat, jnp.broadcast_to(indexes[:, :, None], (_B, _NQ, 5)), axis=1)

    tmp_box = tmp_sel[..., :5] + _inverse_sigmoid(rw_g)
    out_ref_windows = jax.nn.sigmoid(
        jnp.concatenate([tmp_box, tmp_sel[..., 5:]], axis=-1))

    pe = _proposal_pos_embed(out_ref_windows[..., :2], _D)
    se = _proposal_pos_embed(out_ref_windows[..., 2:4], _D)
    re = _proposal_pos_embed(
        jnp.stack([out_ref_windows[..., 4], out_ref_windows[..., 4]], axis=-1),
        _D)
    out_pos = pe + se + re

    ep = params['enc']
    oe = jnp.dot(rows.reshape(_B * _NQ, _D), ep['W'],
                 precision=hi).reshape(_B, _NQ, _D) + ep['b']
    mu = jnp.mean(oe, axis=-1, keepdims=True)
    var = jnp.mean((oe - mu) ** 2, axis=-1, keepdims=True)
    out_embed = (oe - mu) / jnp.sqrt(var + 1e-5) * ep['g'] + ep['beta']

    return (output, out_embed, out_ref_windows, out_pos)

# --- scband reference (transcript-rebuilt; emitter-appended) ---
"""Pipeline reference for scband-box3d-transformer-encoder-4638564680379 (READ-ONLY COPY).

The authoritative reference and input builder live on the scoring server;
editing this copy changes nothing except your own understanding.
"""

import math
import jax, jax.numpy as jnp
import numpy as np

B, L, D = 2, 16384, 256
R = 4              # num_references per location
NUM_QUERIES = 1000
NUM_LAYERS = 3
D_FF = 256
NUM_CLASSES = 3


def _layer_norm(x, g, b, eps=1e-5):
    mu = jnp.mean(x, axis=-1, keepdims=True)
    var = jnp.mean((x - mu) ** 2, axis=-1, keepdims=True)
    return (x - mu) / jnp.sqrt(var + eps) * g + b


def _inverse_sigmoid(x, eps=1e-5):
    x = jnp.clip(x, 0.0, 1.0)
    return jnp.log(jnp.clip(x, eps, None) / jnp.clip(1.0 - x, eps, None))


def _get_proposal_pos_embed(proposals, d_model):
    num_pos_feats = d_model // 2
    dim_t = jnp.arange(num_pos_feats, dtype=jnp.float32)
    dim_t = 10000.0 ** (2.0 * jnp.floor(dim_t / 2.0) / num_pos_feats)
    p = proposals * (2.0 * math.pi)
    pos = p[..., None] / dim_t                      # [b, q, 2, num_pos_feats]
    pos = jnp.stack([jnp.sin(pos[..., 0::2]), jnp.cos(pos[..., 1::2])], axis=-1)
    return pos.reshape(pos.shape[0], pos.shape[1], -1)  # [b, q, d_model]


def setup_inputs(seed: int = 0) -> dict:
    key = jax.random.key(seed)
    ks = jax.random.split(key, 40)
    s = 1.0 / math.sqrt(D)
    src = jax.random.normal(ks[0], (B, L, D), jnp.float32)
    pos = jax.random.normal(ks[1], (B, L, D), jnp.float32)
    ref_windows = jax.random.uniform(ks[2], (B, L, R, 5), jnp.float32)
    src_shape = jnp.array([[128, 128]], dtype=jnp.int32)
    src_start_idx = jnp.zeros((1,), dtype=jnp.int32)

    layers = []
    for i in range(NUM_LAYERS):
        layers.append({
            'W1': jax.random.normal(ks[3 + 2 * i], (D, D_FF), jnp.float32) * s,
            'b1': jnp.zeros((D_FF,), jnp.float32),
            'W2': jax.random.normal(ks[4 + 2 * i], (D_FF, D), jnp.float32) * (1.0 / math.sqrt(D_FF)),
            'b2': jnp.zeros((D,), jnp.float32),
            'g': jnp.ones((D,), jnp.float32),
            'b': jnp.zeros((D,), jnp.float32),
        })
    params = {
        'layers': layers,
        'bbox': {
            'W1': jax.random.normal(ks[20], (D, D), jnp.float32) * s,
            'b1': jnp.zeros((D,), jnp.float32),
            'W2': jax.random.normal(ks[21], (D, D), jnp.float32) * s,
            'b2': jnp.zeros((D,), jnp.float32),
            'W3': jax.random.normal(ks[22], (D, R * 7), jnp.float32) * s,
            'b3': jnp.zeros((R * 7,), jnp.float32),
        },
        'cls': {
            'W': jax.random.normal(ks[23], (D, R * NUM_CLASSES), jnp.float32) * s,
            'b': jnp.zeros((R * NUM_CLASSES,), jnp.float32),
        },
        'enc': {
            'W': jax.random.normal(ks[24], (D, D), jnp.float32) * s,
            'b': jnp.zeros((D,), jnp.float32),
            'g': jnp.ones((D,), jnp.float32),
            'beta': jnp.zeros((D,), jnp.float32),
        },
    }
    return {'src': src, 'pos': pos, 'src_shape': src_shape,
            'src_start_idx': src_start_idx, 'ref_windows': ref_windows,
            'params': params}


def reference(src, pos, src_shape, src_start_idx, ref_windows, params):
    # ---- encoder layers (pre-pos-add FFN blocks, residual + LayerNorm) ----
    output = src
    for lp in params['layers']:
        h = output + pos
        h = jnp.maximum(h @ lp['W1'] + lp['b1'], 0.0) @ lp['W2'] + lp['b2']
        output = _layer_norm(output + h, lp['g'], lp['b'])

    # ---- _get_enc_proposals ----
    b_, l_ = output.shape[:2]
    bb = params['bbox']
    h = jnp.maximum(output @ bb['W1'] + bb['b1'], 0.0)
    h = jnp.maximum(h @ bb['W2'] + bb['b2'], 0.0)
    tmp = (h @ bb['W3'] + bb['b3']).reshape(b_, l_, R, 7)
    rw = ref_windows[..., :R, :]
    tmp_box = tmp[..., :5] + _inverse_sigmoid(rw)
    tmp_h = tmp[..., 5:]
    out_ref_windows = jax.nn.sigmoid(jnp.concatenate([tmp_box, tmp_h], axis=-1))
    out_ref_windows = out_ref_windows.reshape(b_, l_ * R, 7)

    valid = jnp.all((rw[..., :2] > 0.001) & (rw[..., :2] < 0.999), axis=-1)
    src_mask = ~valid                                   # [b, l, R]
    logits = (output @ params['cls']['W'] + params['cls']['b']).reshape(b_, l_, R, -1)[..., 0]
    logits = jnp.where(src_mask, -65504.0, logits).reshape(b_, l_ * R)

    _, indexes = jax.lax.top_k(logits, NUM_QUERIES)     # [b, num_queries]

    idx7 = jnp.broadcast_to(indexes[:, :, None], (b_, NUM_QUERIES, 7))
    out_ref_windows = jnp.take_along_axis(out_ref_windows, idx7, axis=1)
    out_ref_windows = jax.lax.stop_gradient(out_ref_windows)  # .detach()

    pe = _get_proposal_pos_embed(out_ref_windows[..., :2], D)
    se = _get_proposal_pos_embed(out_ref_windows[..., 2:4], D)
    re = _get_proposal_pos_embed(
        jnp.stack([out_ref_windows[..., 4], out_ref_windows[..., 4]], axis=-1), D)
    out_pos = pe + se + re

    idx_e = indexes // R
    idxD = jnp.broadcast_to(idx_e[:, :, None], (b_, NUM_QUERIES, D))
    out_embed = jnp.take_along_axis(output, idxD, axis=1)
    ep = params['enc']
    out_embed = _layer_norm(jax.lax.stop_gradient(out_embed) @ ep['W'] + ep['b'],
                            ep['g'], ep['beta'])
    return (output, out_embed, out_ref_windows, out_pos)

if __name__ == "__main__":
    import jax
    _d = setup_inputs()
    print(jax.jit(kernel)(*tuple(_d.values())))

</pallas_src>

<mosaic_0001>
module attributes {stable_mosaic.version = 14 : i64} {
  func.func @_t_layer_body(%arg0: i32, %arg1: memref<256x2048xf32, #tpu.memory_space<vmem>>, %arg2: memref<256x2048xf32, #tpu.memory_space<vmem>>, %arg3: memref<256x256xf32, #tpu.memory_space<vmem>>, %arg4: memref<256x1xf32, #tpu.memory_space<vmem>>, %arg5: memref<256x256xf32, #tpu.memory_space<vmem>>, %arg6: memref<256x1xf32, #tpu.memory_space<vmem>>, %arg7: memref<256x2048xf32, #tpu.memory_space<vmem>>) attributes {dimension_semantics = [#tpu.dimension_semantics<arbitrary>], iteration_bounds = array<i64: 16>, scalar_prefetch = 0 : i64, scratch_operands = 0 : i64, tpu.core_type = #tpu.core_type<tc>, window_params = [{transform_indices = @transform_0, window_bounds = array<i64: 256, 2048>}, {transform_indices = @transform_1, window_bounds = array<i64: 256, 2048>}, {pipeline_mode = #tpu.pipeline_mode<synchronous>, transform_indices = @transform_2, window_bounds = array<i64: 256, 256>}, {pipeline_mode = #tpu.pipeline_mode<synchronous>, transform_indices = @transform_3, window_bounds = array<i64: 256, 1>}, {pipeline_mode = #tpu.pipeline_mode<synchronous>, transform_indices = @transform_4, window_bounds = array<i64: 256, 256>}, {pipeline_mode = #tpu.pipeline_mode<synchronous>, transform_indices = @transform_5, window_bounds = array<i64: 256, 1>}, {transform_indices = @transform_6, window_bounds = array<i64: 256, 2048>}]} {
    %get3A = arith.constant 0 : index
    %get3A_0 = arith.constant 0 : index
    %get3A_1 = vector.load %arg1[%get3A, %get3A_0] : memref<256x2048xf32, #tpu.memory_space<vmem>>, vector<256x2048xf32>
    %get3A_2 = arith.constant 0 : index
    %get3A_3 = arith.constant 0 : index
    %get3A_4 = vector.load %arg2[%get3A_2, %get3A_3] : memref<256x2048xf32, #tpu.memory_space<vmem>>, vector<256x2048xf32>
    %add3A = arith.addf %get3A_1, %get3A_4 : vector<256x2048xf32>
    %get3A_5 = arith.constant 0 : index
    %get3A_6 = arith.constant 0 : index
    %get3A_7 = vector.load %arg3[%get3A_5, %get3A_6] : memref<256x256xf32, #tpu.memory_space<vmem>>, vector<256x256xf32>
    %dot_general3A = arith.constant dense<0.000000e+00> : vector<256x2048xf32>
    %dot_general3A_8 = tpu.matmul %get3A_7, %add3A, %dot_general3A {dimension_numbers = #tpu.dot_dimension_numbers<[1], [0], [0], [1], [0, 0, 1, 1], [], []>, transpose_lhs_hint = false} : vector<256x256xf32>, vector<256x2048xf32>, vector<256x2048xf32> -> vector<256x2048xf32>
    %get3A_9 = arith.constant 0 : index
    %get3A_10 = arith.constant 0 : index
    %get3A_11 = vector.load %arg4[%get3A_9, %get3A_10] : memref<256x1xf32, #tpu.memory_space<vmem>>, vector<256x1xf32>
    %add3A_12 = vector.broadcast %get3A_11 : vector<256x1xf32> to vector<256x2048xf32>
    %add3A_13 = arith.addf %dot_general3A_8, %add3A_12 : vector<256x2048xf32>
    %max3A = arith.constant 0.000000e+00 : f32
    %max3A_14 = vector.broadcast %max3A : f32 to vector<256x2048xf32>
    %max3A_15 = arith.maximumf %add3A_13, %max3A_14 : vector<256x2048xf32>
    %get3A_16 = arith.constant 0 : index
    %get3A_17 = arith.constant 0 : index
    %get3A_18 = vector.load %arg5[%get3A_16, %get3A_17] : memref<256x256xf32, #tpu.memory_space<vmem>>, vector<256x256xf32>
    %dot_general3A_19 = arith.constant dense<0.000000e+00> : vector<256x2048xf32>
    %dot_general3A_20 = tpu.matmul %get3A_18, %max3A_15, %dot_general3A_19 {dimension_numbers = #tpu.dot_dimension_numbers<[1], [0], [0], [1], [0, 0, 1, 1], [], []>, transpose_lhs_hint = false} : vector<256x256xf32>, vector<256x2048xf32>, vector<256x2048xf32> -> vector<256x2048xf32>
    %get3A_21 = arith.constant 0 : index
    %get3A_22 = arith.constant 0 : index
    %get3A_23 = vector.load %arg6[%get3A_21, %get3A_22] : memref<256x1xf32, #tpu.memory_space<vmem>>, vector<256x1xf32>
    %add3A_24 = vector.broadcast %get3A_23 : vector<256x1xf32> to vector<256x2048xf32>
    %add3A_25 = arith.addf %dot_general3A_20, %add3A_24 : vector<256x2048xf32>
    %add3A_26 = arith.addf %get3A_1, %add3A_25 : vector<256x2048xf32>
    %swap3A = arith.constant 0 : index
    %swap3A_27 = arith.constant 0 : index
    %swap3A_28 = vector.load %arg7[%swap3A, %swap3A_27] : memref<256x2048xf32, #tpu.memory_space<vmem>>, vector<256x2048xf32>
    tpu.vector_store %arg7[%swap3A, %swap3A_27], %add3A_26 {strides = array<i32>} : memref<256x2048xf32, #tpu.memory_space<vmem>>, vector<256x2048xf32>,
    return
  }
  func.func @transform_0(%arg0: i32) -> (i32, i32) {
    %c0_i32 = arith.constant 0 : i32
    %c0_i32_0 = arith.constant 0 : i32
    return %c0_i32, %arg0 : i32, i32
  }
  func.func @transform_1(%arg0: i32) -> (i32, i32) {
    %c0_i32 = arith.constant 0 : i32
    %c0_i32_0 = arith.constant 0 : i32
    return %c0_i32, %arg0 : i32, i32
  }
  func.func @transform_2(%arg0: i32) -> (i32, i32) {
    %c0_i32 = arith.constant 0 : i32
    %c0_i32_0 = arith.constant 0 : i32
    %c0_i32_1 = arith.constant 0 : i32
    return %c0_i32, %c0_i32_0 : i32, i32
  }
  func.func @transform_3(%arg0: i32) -> (i32, i32) {
    %c0_i32 = arith.constant 0 : i32
    %c0_i32_0 = arith.constant 0 : i32
    %c0_i32_1 = arith.constant 0 : i32
    return %c0_i32, %c0_i32_0 : i32, i32
  }
  func.func @transform_4(%arg0: i32) -> (i32, i32) {
    %c0_i32 = arith.constant 0 : i32
    %c0_i32_0 = arith.constant 0 : i32
    %c0_i32_1 = arith.constant 0 : i32
    return %c0_i32, %c0_i32_0 : i32, i32
  }
  func.func @transform_5(%arg0: i32) -> (i32, i32) {
    %c0_i32 = arith.constant 0 : i32
    %c0_i32_0 = arith.constant 0 : i32
    %c0_i32_1 = arith.constant 0 : i32
    return %c0_i32, %c0_i32_0 : i32, i32
  }
  func.func @transform_6(%arg0: i32) -> (i32, i32) {
    %c0_i32 = arith.constant 0 : i32
    %c0_i32_0 = arith.constant 0 : i32
    return %c0_i32, %arg0 : i32, i32
  }
}

module attributes {stable_mosaic.version = 14 : i64} {
  func.func @_t_final_body(%arg0: i32, %arg1: memref<256x2048xf32, #tpu.memory_space<vmem>>, %arg2: memref<4x2048xf32, #tpu.memory_space<vmem>>, %arg3: memref<4x2048xf32, #tpu.memory_space<vmem>>, %arg4: memref<4x256xf32, #tpu.memory_space<vmem>>, %arg5: memref<4x1xf32, #tpu.memory_space<vmem>>, %arg6: memref<4x2048xf32, #tpu.memory_space<vmem>>) attributes {dimension_semantics = [#tpu.dimension_semantics<arbitrary>], iteration_bounds = array<i64: 16>, scalar_prefetch = 0 : i64, scratch_operands = 0 : i64, tpu.core_type = #tpu.core_type<tc>, window_params = [{transform_indices = @transform_0, window_bounds = array<i64: 256, 2048>}, {transform_indices = @transform_1, window_bounds = array<i64: 4, 2048>}, {transform_indices = @transform_2, window_bounds = array<i64: 4, 2048>}, {pipeline_mode = #tpu.pipeline_mode<synchronous>, transform_indices = @transform_3, window_bounds = array<i64: 4, 256>}, {pipeline_mode = #tpu.pipeline_mode<synchronous>, transform_indices = @transform_4, window_bounds = array<i64: 4, 1>}, {transform_indices = @transform_5, window_bounds = array<i64: 4, 2048>}]} {
    %get3A = arith.constant 0 : index
    %get3A_0 = arith.constant 0 : index
    %get3A_1 = vector.load %arg4[%get3A, %get3A_0] : memref<4x256xf32, #tpu.memory_space<vmem>>, vector<4x256xf32>
    %get3A_2 = arith.constant 0 : index
    %get3A_3 = arith.constant 0 : index
    %get3A_4 = vector.load %arg1[%get3A_2, %get3A_3] : memref<256x2048xf32, #tpu.memory_space<vmem>>, vector<256x2048xf32>
    %dot_general3A = arith.constant dense<0.000000e+00> : vector<4x2048xf32>
    %dot_general3A_5 = tpu.matmul %get3A_1, %get3A_4, %dot_general3A {dimension_numbers = #tpu.dot_dimension_numbers<[1], [0], [0], [1], [0, 0, 1, 1], [], []>, transpose_lhs_hint = false} : vector<4x256xf32>, vector<256x2048xf32>, vector<4x2048xf32> -> vector<4x2048xf32>
    %get3A_6 = arith.constant 0 : index
    %get3A_7 = arith.constant 0 : index
    %get3A_8 = vector.load %arg5[%get3A_6, %get3A_7] : memref<4x1xf32, #tpu.memory_space<vmem>>, vector<4x1xf32>
    %add3A = vector.broadcast %get3A_8 : vector<4x1xf32> to vector<4x2048xf32>
    %add3A_9 = arith.addf %dot_general3A_5, %add3A : vector<4x2048xf32>
    %get3A_10 = arith.constant 0 : index
    %get3A_11 = arith.constant 0 : index
    %get3A_12 = vector.load %arg2[%get3A_10, %get3A_11] : memref<4x2048xf32, #tpu.memory_space<vmem>>, vector<4x2048xf32>
    %gt3A = arith.constant 1.000000e-03 : f32
    %gt3A_13 = vector.broadcast %gt3A : f32 to vector<4x2048xf32>
    %gt3A_14 = arith.cmpf ogt, %get3A_12, %gt3A_13 : vector<4x2048xf32>
    %get3A_15 = arith.constant 0 : index
    %get3A_16 = arith.constant 0 : index
    %get3A_17 = vector.load %arg2[%get3A_15, %get3A_16] : memref<4x2048xf32, #tpu.memory_space<vmem>>, vector<4x2048xf32>
    %lt3A = arith.constant 9.990000e-01 : f32
    %lt3A_18 = vector.broadcast %lt3A : f32 to vector<4x2048xf32>
    %lt3A_19 = arith.cmpf olt, %get3A_17, %lt3A_18 : vector<4x2048xf32>
    %and3A = arith.andi %gt3A_14, %lt3A_19 : vector<4x2048xi1>
    %get3A_20 = arith.constant 0 : index
    %get3A_21 = arith.constant 0 : index
    %get3A_22 = vector.load %arg3[%get3A_20, %get3A_21] : memref<4x2048xf32, #tpu.memory_space<vmem>>, vector<4x2048xf32>
    %gt3A_23 = arith.constant 1.000000e-03 : f32
    %gt3A_24 = vector.broadcast %gt3A_23 : f32 to vector<4x2048xf32>
    %gt3A_25 = arith.cmpf ogt, %get3A_22, %gt3A_24 : vector<4x2048xf32>
    %and3A_26 = arith.andi %and3A, %gt3A_25 : vector<4x2048xi1>
    %get3A_27 = arith.constant 0 : index
    %get3A_28 = arith.constant 0 : index
    %get3A_29 = vector.load %arg3[%get3A_27, %get3A_28] : memref<4x2048xf32, #tpu.memory_space<vmem>>, vector<4x2048xf32>
    %lt3A_30 = arith.constant 9.990000e-01 : f32
    %lt3A_31 = vector.broadcast %lt3A_30 : f32 to vector<4x2048xf32>
    %lt3A_32 = arith.cmpf olt, %get3A_29, %lt3A_31 : vector<4x2048xf32>
    %and3A_33 = arith.andi %and3A_26, %lt3A_32 : vector<4x2048xi1>
    %jit3A = arith.constant -6.550400e+04 : f32
    %broadcast_in_dim3A = vector.broadcast %jit3A : f32 to vector<4x2048xf32>
    %select_n3A = arith.select %and3A_33, %add3A_9, %broadcast_in_dim3A : vector<4x2048xi1>, vector<4x2048xf32>
    %swap3A = arith.constant 0 : index
    %swap3A_34 = arith.constant 0 : index
    %swap3A_35 = vector.load %arg6[%swap3A, %swap3A_34] : memref<4x2048xf32, #tpu.memory_space<vmem>>, vector<4x2048xf32>
    tpu.vector_store %arg6[%swap3A, %swap3A_34], %select_n3A {strides = array<i32>} : memref<4x2048xf32, #tpu.memory_space<vmem>>, vector<4x2048xf32>,
    return
  }
  func.func @transform_0(%arg0: i32) -> (i32, i32) {
    %c0_i32 = arith.constant 0 : i32
    %c0_i32_0 = arith.constant 0 : i32
    return %c0_i32, %arg0 : i32, i32
  }
  func.func @transform_1(%arg0: i32) -> (i32, i32) {
    %c0_i32 = arith.constant 0 : i32
    %c0_i32_0 = arith.constant 0 : i32
    return %c0_i32, %arg0 : i32, i32
  }
  func.func @transform_2(%arg0: i32) -> (i32, i32) {
    %c0_i32 = arith.constant 0 : i32
    %c0_i32_0 = arith.constant 0 : i32
    return %c0_i32, %arg0 : i32, i32
  }
  func.func @transform_3(%arg0: i32) -> (i32, i32) {
    %c0_i32 = arith.constant 0 : i32
    %c0_i32_0 = arith.constant 0 : i32
    %c0_i32_1 = arith.constant 0 : i32
    return %c0_i32, %c0_i32_0 : i32, i32
  }
  func.func @transform_4(%arg0: i32) -> (i32, i32) {
    %c0_i32 = arith.constant 0 : i32
    %c0_i32_0 = arith.constant 0 : i32
    %c0_i32_1 = arith.constant 0 : i32
    return %c0_i32, %c0_i32_0 : i32, i32
  }
  func.func @transform_5(%arg0: i32) -> (i32, i32) {
    %c0_i32 = arith.constant 0 : i32
    %c0_i32_0 = arith.constant 0 : i32
    return %c0_i32, %arg0 : i32, i32
  }
}

</mosaic_0001>

<sc_bundles>
// kernel: gather_offload_async_start.1
scs
__scs_entry_jumppad:
0x0: {  	(pc) =	sbr.rel $0x88, $3  }
0x1: {  	(tag) =	ssettag $0x0;
	lr =	simm.s32 $0x1  }
0x2: {  	[smem:$0x3F80] =	sst lr;
	_ =	strace $0xD0000000  }
0x3: {  	_ = 	snop  }
0x4: {  	_ = 	snop  }
0x5: {  	_ = 	snop  }
0x6: {  	_ = 	snop  }
0x7: {  	_ = 	snop  }
__scs_overlays_trampoline_lowered:
0x8: {  	[smem:$0x3F8F] =	sst s0  }
0x9: {  	[smem:$0x3F90] =	sst s1  }
0xa: {  	[smem:$0x3F91] =	sst s2  }
0xb: {  	[smem:$0x3F92] =	sst s3  }
0xc: {  	[smem:$0x3F93] =	sst s4  }
0xd: {  	[smem:$0x3F94] =	sst s5  }
0xe: {  	[smem:$0x3F95] =	sst s6  }
0xf: {  	[smem:$0x3F96] =	sst s7  }
0x10: {  	[smem:$0x3F97] =	sst s8  }
0x11: {  	[smem:$0x3F98] =	sst s9;
	s0 =	simm.s32 @!p0 $0x0  }
0x12: {  	s1 =	sld [smem:$0x3F7E];
	s0 =	simm.s32 @p0 $0x1  }
0x13: {  	[smem:$0x3F99] =	sst s0;
	s0 =	simm.s32 @!p1 $0x0  }
0x14: {  	s2 =	sld [smem:$0x3F7D];
	s0 =	simm.s32 @p1 $0x1  }
0x15: {  	[smem:$0x3F9A] =	sst s0;
	s0 =	simm.s32 @!p2 $0x0  }
0x16: {  	s3 =	sld [smem:$0x3FDB];
	s0 =	simm.s32 @p2 $0x1  }
0x17: {  	s4 =	simm.s32 $0x1BF5;
	[smem:$0x3F9C] =	sst s0  }
0x18: {  	s0 =	sld [smem:$0x3F7F];
	_ =	swait.ge [sflag:s4], $0x0  }
0x19: {  	s7 =	sld [smem:$0x3F80]  }
0x1a: {  	s8 =	sadd.s32 $0xFFFFE003, lr  }
0x1b: {  	s9 =	sadd.s32 $0xFFFFFEF7, lr;
	s5 =	simm.s32 $0xFFFFFFFF;
	p2 =	slt.u32 s8, $0xFFFFF086  }
0x1c: {  	p1 =	slt.u32 s9, $0xF7A;
	s5 =	simm.s32 @!p2 $0x0  }
0x1d: {  	s5 =	simm.s32 @p1 $0x1;
	p0 =	seq.s32 s7, s2  }
0x1e: {  	s7 =	smul.u32 @!p0 $0xF7A, s2;
	p2 =	seq.s32 @!p0 s5, $0x0  }
0x1f: {  	s9 =	smul.u32 $0xF7A, s1;
	s8 =	simm.s32 @!p0 $0x1BF5;
	p2 =	por !p2, p0  }
0x20: {  	[sflag:s8] =	ssyncset.s32 @!p0 $0xFFFFF086;
	s6 =	sadd.s32 @!p0 s3, s7;
	s7 =	simm.s32 @!p0 $0x108  }
0x21: {  	s3 =	sadd.s32 s3, s9;
	s6 =	sadd.s32 @!p0 $0x88, s6;
	s7 =	simm.s32 @p2 $0x1082  }
0x22: {  	[simem:s7], [sflag:s8] =	dma.local @!p0 [hbm:s6], $0xF7A  }
0x23: {  	s9 =	sor.u32 $0xD0000000, s2;
	s6 =	simm.s32 $0x108;
	_ =	swait.ge @!p0 [sflag:s8], $0x0  }
0x24: {  	s3 =	sadd.s32 $0x88, s3;
	s6 =	simm.s32 @!p1 $0x1082;
	[sflag:s4] =	ssyncset.s32 $0xFFFFF086  }
0x25: {  	[simem:s6], [sflag:s4] =	dma.local [hbm:s3], $0xF7A  }
0x26: {  	[smem:$0x3F80] =	sst s1;
	(tag) =	ssettag s2;
	_ =	strace s9  }
0x27: {  	s1 =	sld [smem:$0x3F90]  }
0x28: {  	s2 =	sld [smem:$0x3F91]  }
0x29: {  	s4 =	sld [smem:$0x3F93]  }
0x2a: {  	p0 =	seq.s32 s5, $0x0;
	s5 =	sld [smem:$0x3F94]  }
0x2b: {  	s6 =	sld [smem:$0x3F95]  }
0x2c: {  	s7 =	sld [smem:$0x3F96]  }
0x2d: {  	s3 =	simm.s32 $0x108;
	s8 =	sld [smem:$0x3F97]  }
0x2e: {  	s3 =	simm.s32 @!p0 $0x1082;
	s9 =	sld [smem:$0x3F98]  }
0x2f: {  	lr =	sadd.s32 s0, s3;
	s0 =	sld [smem:$0x3F8F]  }
0x30: {  	s3 =	sld [smem:$0x3F92]  }
0x31: {  	[smem:$0x3F9B] =	sst s10  }
0x32: {  	s10 =	sld [smem:$0x3F99];
	_ =	sdelay $0x3  }
0x33: {  	p0 =	seq.s32 s10, $0x1;
	s10 =	sld [smem:$0x3F9B];
	_ =	sdelay $0x3  }
0x34: {  	[smem:$0x3F9B] =	sst s10  }
0x35: {  	s10 =	sld [smem:$0x3F9A];
	_ =	sdelay $0x3  }
0x36: {  	p1 =	seq.s32 s10, $0x1;
	s10 =	sld [smem:$0x3F9B];
	_ =	sdelay $0x3  }
0x37: {  	[smem:$0x3F9B] =	sst s10  }
0x38: {  	s10 =	sld [smem:$0x3F9C]  }
0x39: {  	_ = 	snop;
	(pc) =	sbr.ind lr, $3  }
0x3a: {  	_ = 	snop  }
0x3b: {  	_ = 	snop  }
0x3c: {  	p2 =	seq.s32 s10, $0x1;
	s10 =	sld [smem:$0x3F9B]  }
0x3d: {  	_ =	shalt  }
0x3e: {  	_ =	shalt  }
0x3f: {  	_ =	shalt  }
0x40: {  	_ =	shalt  }
0x41: {  	_ =	shalt  }
0x42: {  	_ =	shalt  }
0x43: {  	_ =	shalt  }
0x44: {  	_ =	shalt  }
0x45: {  	_ =	shalt  }
0x46: {  	_ =	shalt  }
0x47: {  	_ =	shalt  }
0x48: {  	_ =	shalt  }
0x49: {  	_ =	shalt  }
0x4a: {  	_ =	shalt  }
0x4b: {  	_ =	shalt  }
0x4c: {  	_ =	shalt  }
0x4d: {  	_ =	shalt  }
0x4e: {  	_ =	shalt  }
0x4f: {  	_ =	shalt  }
0x50: {  	_ =	shalt  }
0x51: {  	_ =	shalt  }
0x52: {  	_ =	shalt  }
0x53: {  	_ =	shalt  }
0x54: {  	_ =	shalt  }
0x55: {  	_ =	shalt  }
0x56: {  	_ =	shalt  }
0x57: {  	_ =	shalt  }
0x58: {  	_ =	shalt  }
0x59: {  	_ =	shalt  }
0x5a: {  	_ =	shalt  }
0x5b: {  	_ =	shalt  }
0x5c: {  	_ =	shalt  }
0x5d: {  	_ =	shalt  }
0x5e: {  	_ =	shalt  }
0x5f: {  	_ =	shalt  }
0x60: {  	_ =	shalt  }
0x61: {  	_ =	shalt  }
0x62: {  	_ =	shalt  }
0x63: {  	_ =	shalt  }
0x64: {  	_ =	shalt  }
0x65: {  	_ =	shalt  }
0x66: {  	_ =	shalt  }
0x67: {  	_ =	shalt  }
0x68: {  	_ =	shalt  }
0x69: {  	_ =	shalt  }
0x6a: {  	_ =	shalt  }
0x6b: {  	_ =	shalt  }
0x6c: {  	_ =	shalt  }
0x6d: {  	_ =	shalt  }
0x6e: {  	_ =	shalt  }
0x6f: {  	_ =	shalt  }
0x70: {  	_ =	shalt  }
0x71: {  	_ =	shalt  }
0x72: {  	_ =	shalt  }
0x73: {  	_ =	shalt  }
0x74: {  	_ =	shalt  }
0x75: {  	_ =	shalt  }
0x76: {  	_ =	shalt  }
0x77: {  	_ =	shalt  }
0x78: {  	_ =	shalt  }
0x79: {  	_ =	shalt  }
0x7a: {  	_ =	shalt  }
0x7b: {  	_ =	shalt  }
0x7c: {  	_ =	shalt  }
0x7d: {  	_ =	shalt  }
0x7e: {  	_ =	shalt  }
0x7f: {  	_ =	shalt  }
0x80: {  	_ =	shalt  }
0x81: {  	_ =	shalt  }
0x82: {  	_ =	shalt  }
0x83: {  	_ =	shalt  }
0x84: {  	_ =	shalt  }
0x85: {  	_ =	shalt  }
0x86: {  	_ =	shalt  }
0x87: {  	_ =	shalt  }
.Lfunc_end0:
.L_simem_size_0:
called_computation.4_lowered:
.L_overlay_start_0:
0x88: {  	s0 =	sld [smem:$0x3FD9]  }
0x89: {  	s1 =	sld [smem:$0x3FFE];
	_ =	sdelay $0x3  }
0x8a: {  	s0 =	sadd.s32 s1, s0  }
0x8b: {  	[smem:$0x3FA7] =	sst s0  }
0x8c: {  	_ = 	snop  }
0x8d: {  	s0 =	sld [smem:$0x3FD0];
	_ =	sdelay $0x2  }
0x8e: {  	s13 =	simm.s32 $0xC;
	s2 =	simm.s32 $0x10  }
0x8f: {  	[smem:s2], [sflag:s13] =	dma.local [hbm:s0], $0x1  }
0x90: {  	_ =	swait.eq [sflag:s13], $0x1  }
0x91: {  	[sflag:s13] =	ssyncset.done $0x0  }
0x92: {  	s14 =	sld [smem:$0x12];
	[sflag:s13] =	ssyncadd.s32 $0xFFFFFFFF  }
0x93: {  	s15 =	sld [smem:$0x13];
	(tm) =	ssettm $0x1  }
0x94: {  	s16 =	sld [smem:$0x3FFB];
	_ =	sdelay $0x3  }
0x95: {  	_ =	strace s16  }
0x96: {  	s2 =	sld [smem:$0x3FFC];
	_ =	sdelay $0x3  }
0x97: {  	_ =	strace s2  }
0x98: {  	s2 =	sld [smem:$0x3FFD];
	_ =	sdelay $0x3  }
0x99: {  	_ =	strace s2  }
0x9a: {  	_ =	strace $0x8FFFFFFF  }
0x9b: {  	s17 =	sld [smem:$0x3FDB];
	_ =	sdelay $0x1  }
0x9c: {  	s3 =	simm.s32 $_scs_section_size  }
0x9d: {  	s4 =	simm.s32 $_size__tile_overlayer_lowered;
	s5 =	simm.s32 $_tile_overlayer_lowered  }
0x9e: {  	s20 =	simm.s32 $0x1BFF;
	s19 =	sshll.u32 s5, $0x1;
	s2 =	sadd.s32 s3, s17  }
0x9f: {  	s6 =	simm.s32 $0x0;
	s18 =	sshll.u32 s4, $0x1;
	s4 =	sadd.s32 s19, s2  }
0xa0: {  	[timem:s6], [sflag:s20] =	dma.local [hbm:s4], s18  }
0xa1: {  	_ =	swait.ge [sflag:s20], s18  }
0xa2: {  	s3 =	ssub.s32 $0x0, s18;
	[sflag:s20] =	ssyncset.done $0x0  }
0xa3: {  	[sflag:s20] =	ssyncadd.s32 s3;
	_ =	sdelay $0x1  }
0xa4: {  	s21 =	simm.s32 $0x1B8B  }
0xa5: {  	_ =	swait.ge [sflag:s21], $0x1  }
0xa6: {  	[sflag:s21] =	ssyncset.done $0x0  }
0xa7: {  	s23 =	simm.s32 $0x1B8E;
	s22 =	sld [smem:$0x3FFE];
	[sflag:s21] =	ssyncadd.s32 $0xFFFFFFFF  }
0xa8: {  	s24 =	simm.s32 $execute0_lowered;
	[smem:$0x3FD2] =	sst s23  }
0xa9: {  	s4 =	sshll.u32 s24, $0x1;
	_ =	strace $0x80000052;
	[dreg:$0x1] =	wrdreg $0xFFFFFFFF  }
0xaa: {  	s25 =	simm.s32 $_size_execute0_lowered;
	s2 =	sadd.s32 s2, s4;
	[dreg:$0x0] =	wrdreg $0x0  }
0xab: {  	s4 =	sshll.u32 s25, $0x1;
	[dreg:$0x2] =	wrdreg s2  }
0xac: {  	[dreg:$0x3] =	wrdreg s4  }
0xad: {  	[dreg:$0x4] =	wrdreg $0xC0  }
0xae: {  	_ =	task [dreg:s6], $0x5FFFF  }
0xaf: {  	[dreg:$0x1] =	wrdreg $0xFFFFFFFF  }
0xb0: {  	[dreg:$0x0] =	wrdreg $0x60  }
0xb1: {  	[dreg:$0x2] =	wrdreg s15  }
0xb2: {  	[dreg:$0x3] =	wrdreg s14  }
0xb3: {  	[dreg:$0x4] =	wrdreg s22  }
0xb4: {  	[dreg:$0x5] =	wrdreg $0xA  }
0xb5: {  	_ =	task.clear_ibuf [dreg:s6], $0x6FFFF;
	_ =	strace $0x90000052  }
0xb6: {  	s26 =	simm.s32 $0xA;
	_ =	strace $0x80000054  }
0xb7: {  	_ =	swait.ge [sflag:s26], $0x1  }
0xb8: {  	[sflag:s26] =	ssyncadd.s32 $0xFFFFFFFF  }
0xb9: {  	_ =	strace $0x90000054  }
0xba: {  	_ =	sfence  }
0xbb: {  	s28 =	sld [smem:$0x0];
	_ =	sdelay $0x1  }
0xbc: {  	s29 =	srdreg.scid  }
0xbd: {  	s30 =	sshll.u32 s29, $0xD;
	s31 =	sshrl.u32 s29, $0x2  }
0xbe: {  	s1 =	sand.u32 $0x1, s29;
	s2 =	sand.u32 $0x4000, s30;
	s0 =	sadd.s32 s31, s28  }
0xbf: {  	s1 =	sor.u32 s2, s1;
	s0 =	sshll.u32 s0, $0x11  }
0xc0: {  	s0 =	sor.u32 s0, s1  }
0xc1: {  	s0 =	sadd.s32 $0x8F2B, s0  }
0xc2: {  	[sflag:s0] =	ssyncadd.remote.s32 $0x1  }
0xc3: {  	_ =	sfence.sel $0xFFFF  }
0xc4: {  	[dreg:$0x0] =	wrdreg $0xFFFFFFFF;
	(pc) =	sbr.abs _section_cstart, $3  }
0xc5: {  	[dreg:$0x1] =	wrdreg $0xFFFFFFFF  }
0xc6: {  	_ =	task.clear_ibuf [dreg:s6], $0x2FFFF;
	_ =	strace $0x9FFFFFFF  }
0xc7: {  	(tm) =	ssettm $0x7FFFFFFF  }
tec
execute0_lowered:
.L_overlay_start_1:
0x0: {  	(tag) =	ssettag $0x1  }
0x1: {  	s2 =	rddreg [dreg:$0x0]  }
0x2: {  	s3 =	rddreg [dreg:$0x1]  }
0x3: {  	s8 =	rddreg [dreg:$0x2]  }
0x4: {  	s0 =	rddreg [dreg:$0x3];
	s1 =	stileid.u32;
	_ =	strace $0x80000053  }
0x5: {  	s5 =	simm.s32 $0x1;
	s6 =	simm.s32 $0x2300;
	s9 =	simm.s32 $0x1  }
0x6: {  	s10 =	simm.s32 $0x3;
	s13 =	simm.s32 $0x0;
	s4 =	smul.u32 $0x230, s1  }
0x7: {  	s12 =	simm.s32 $0x0;
	p0 =	slt.u32 s1, $0xA;
	[sflag:s5] =	ssyncpa.u1 $0x0  }
.Ltmp0:
0x8: {  	s6 =	simm.s32 @!p0 $0x0;
	s7 =	ssub.s32 $0x36B0, s4;
	(pc) =	sbr.rel .LBB2_1-.Ltmp0, $4  }
0x9: {  	s9 =	simm.s32 @!p0 $0x0;
	p0 =	sne.s32 s7, s6;
	s7 =	simm.s32 $0x1  }
0xa: {  	s8 =	sadd.s32 $0x108200, s8;
	s6 =	simm.s32 $0x2;
	s7 =	simm.s32 @!p0 $0x0  }
0xb: {  	s11 =	smov.u32 s4;
	[sflag:s6] =	ssyncpa.u1 $0x0;
	s7 =	sadd.s32 s9, s7  }
0xc: {  	vm0 =	vmmov $0xffff;
	[sflag:s10] =	ssyncpa.u1 $0x0;
	s10 =	simm.s32 $0x0;
	s9 =	sadd.s32 $0x1, s7  }
.LBB2_4:
0xd: {  	v4 =	vsel vm1, $0xFFFFFFFF, v4;
	v0 =	vshrl.u32 v0, $0x1;
	v3 =	vand.u32 $0x3, v3  }
0xe: {  	v0 =	vand.u32 $0x3FF, v0;
	v3 =	vmul.u32 $0x3800, v3;
	v5 =	vshll.u32 v4, $0x7  }
0xf: {  	v4 =	vand.u32 $0xFFFFF800, v4;
	v0 =	vsel vm1, $0xFFFFFFFF, v0;
	v5 =	vand.u32 $0x80, v5  }
0x10: {  	v6 =	vand.u32 $0x7F, v0;
	v2 =	vadd.s32 v2, v3;
	v63 =	vor.u32 v4, v5  }
0x11: {  	v0 =	vshll.u32 v0, $0x1;
	v2 =	vsel vm1, $0xFFFFC000, v2;
	v3 =	vor.u32 v6, v63  }
0x12: {  	v0 =	vand.u32 $0xFFFFFF00, v0;
	v2 =	vadd.s32 v2, v3  }
0x13: {  	v0 =	vadd.s32 v0, v2;
	_ =	sdelay $0x1  }
0x14: {  	(ifvalue) =	ssetifvalue $0x7FFFFFFF;
	s15 =	sadd.s32 $0x10, s15  }
0x15: {  	[tilespmem:s15], [sflag:$0x1] =	stream.indirect_vreg.gather [hbm4b:s2+s10], $0x1, v1, vm0, $0x4038;
	[tilespmem:$0x8C0] =	vst v63  }
0x16: {  	(ifvalue) =	ssetifvalue $0x7FFFFFFF;
	s15 =	sadd.s32 $0x10, s15  }
0x17: {  	[tilespmem:s15], [sflag:$0x1] =	stream.indirect_vreg.gather [hbm4b:s2+s10], $0x1, v0, vm0, $0x4038;
	[tilespmem:$0x8C0] =	vst v63  }
0x18: {  	_ =	swait.ge [sflag:s5], $0x230  }
0x19: {  	s30 =	sshrl.u32 s13, $0x3;
	[sflag:s5] =	ssyncset.done $0x0  }
0x1a: {  	s31 =	sand.u32 $0x7, s13;
	s15 =	sadd.s32 s8, s30;
	[sflag:s5] =	ssyncadd.s32 $0xFFFFFDD0  }
0x1b: {  	[hbm4b:s15+s31] =	stream.linear.scatter [tilespmem:s14], [sflag:$0x3], $0x230, $0x38;
	[tilespmem:$0x8C0] =	vst v63  }
.LBB2_5:
0x1c: {  	s15 =	sadd.s32 $0x2300, s11  }
0x1d: {  	p1 =	sgt.s32 s15, $0x36AF  }
0x1e: {  	s15 =	smov.u32 @p1 s4;
	p1 =	sne.s32 s12, s9  }
.Ltmp1:
0x1f: {  	p0 =	slt.u32 s12, $0x2;
	(pc) =	sbr.rel @!p1 .LBB2_6-.Ltmp1, $4  }
0x20: {  	s14 =	simm.s32 @!p0 $0x3  }
0x21: {  	_ =	swait.ge @!p0 [sflag:s14], $0x230  }
0x22: {  	s16 =	sadd.s32 $0x1, s12;
	s13 =	smov.u32 s11;
	[sflag:s14] =	ssyncset.done @!p0 $0x0  }
0x23: {  	s12 =	smov.u32 s16;
	s11 =	smov.u32 s15;
	[sflag:s14] =	ssyncadd.s32 @!p0 $0xFFFFFDD0  }
.LBB2_1:
0x24: {  	p0 =	sge.u32 s12, s7  }
0x25: {  	s14 =	sxor.u32 @!p0 $0x1, s12  }
0x26: {  	s14 =	smul.u32 @!p0 $0x8C0, s14  }
0x27: {  	s31 =	sadd.s32 $0xFFFFFFFF, s12;
	s15 =	sshrl.u32 @!p0 s11, $0x3  }
0x28: {  	s16 =	sand.u32 @!p0 $0x7, s11;
	s15 =	sadd.s32 @!p0 s3, s15;
	s14 =	sshra.s32 @!p0 s14, $0x2  }
0x29: {  	[tilespmem:s14], [sflag:$0x2] =	stream.linear.gather @!p0 [hbm4b:s15+s16], $0x230, $0x38;
	[tilespmem:$0x8C0] =	vst v63  }
0x2a: {  	p0 =	sge.u32 s31, s7  }
.Ltmp2:
0x2b: {  	_ = 	snop;
	(pc) =	sbr.rel @p0 .LBB2_5-.Ltmp2, $1  }
0x2c: {  	_ =	sdelay $0x3  }
0x2d: {  	s14 =	sand.u32 $0x1, s12  }
0x2e: {  	_ =	swait.ge [sflag:s6], $0x230;
	p0 =	seq.s32 s14, $0x1;
	s14 =	simm.s32 $0x230  }
0x2f: {  	[sflag:s6] =	ssyncset.done $0x0;
	s14 =	simm.s32 @!p0 $0x0  }
0x30: {  	[sflag:s6] =	ssyncadd.s32 $0xFFFFFDD0;
	(ifvalue) =	ssetifvalue $0x7FFFFFFF;
	v0 =	vld.msk [tilespmem:s14+$0x0 ss:$0x1], $0xffff;
	_ =	sdelay $0x4  }
0x31: {  	v1 =	vand.u32 $0x3800, v0;
	vm1 =	veq.s32 v0, $0x80000000  }
0x32: {  	s15 =	sadd.s32 $0x10, s14;
	v2 =	vand.u32 $0x1, v0;
	v3 =	vshrl.u32 v0, $0xE;
	v0 =	vshrl.u32 v0, $0x1  }
0x33: {  	v4 =	vld.msk [tilespmem:s15+$0x0 ss:$0x1], $0xffff;
	v2 =	vsel vm1, $0xFFFFFFFF, v2;
	v3 =	vand.u32 $0x3, v3;
	v0 =	vand.u32 $0x3FF, v0  }
0x34: {  	v3 =	vmul.u32 $0x3800, v3;
	v5 =	vshll.u32 v2, $0x7;
	v0 =	vsel vm1, $0xFFFFFFFF, v0  }
0x35: {  	v2 =	vand.u32 $0xFFFFF800, v2;
	v5 =	vand.u32 $0x80, v5;
	v6 =	vand.u32 $0x7F, v0  }
0x36: {  	v0 =	vshll.u32 v0, $0x1;
	v1 =	vadd.s32 v1, v3;
	v2 =	vor.u32 v2, v5  }
0x37: {  	v0 =	vand.u32 $0xFFFFFF00, v0;
	v1 =	vsel vm1, $0xFFFFC000, v1;
	v2 =	vor.u32 v6, v2  }
0x38: {  	v3 =	vshrl.u32 v4, $0xE;
	vm1 =	veq.s32 v4, $0x80000000;
	v1 =	vadd.s32 v1, v2  }
0x39: {  	v3 =	vand.u32 $0x3, v3;
	v1 =	vadd.s32 v0, v1;
	v0 =	vand.u32 $0x1, v4  }
0x3a: {  	s15 =	sadd.s32 $0x10, s15;
	v2 =	vand.u32 $0x3800, v4;
	v4 =	vshrl.u32 v4, $0x1;
	v5 =	vsel vm1, $0xFFFFFFFF, v0  }
0x3b: {  	v3 =	vmul.u32 $0x3800, v3;
	v0 =	vld.msk [tilespmem:s15+$0x0 ss:$0x1], $0xffff;
	v4 =	vand.u32 $0x3FF, v4;
	v6 =	vshll.u32 v5, $0x7  }
0x3c: {  	v4 =	vsel vm1, $0xFFFFFFFF, v4;
	v5 =	vand.u32 $0xFFFFF800, v5;
	v6 =	vand.u32 $0x80, v6  }
0x3d: {  	v2 =	vadd.s32 v2, v3;
	v7 =	vand.u32 $0x7F, v4;
	v3 =	vor.u32 v5, v6  }
0x3e: {  	s14 =	sadd.s32 $0x460, s14;
	(ifvalue) =	ssetifvalue $0x7FFFFFFF;
	v2 =	vsel vm1, $0xFFFFC000, v2;
	v4 =	vshll.u32 v4, $0x1;
	v3 =	vor.u32 v7, v3  }
0x3f: {  	[tilespmem:s14], [sflag:$0x1] =	stream.indirect_vreg.gather [hbm4b:s2+s10], $0x1, v1, vm0, $0x4038;
	v1 =	vand.u32 $0xFFFFFF00, v4;
	v3 =	vadd.s32 v2, v3;
	[tilespmem:$0x8C0] =	vst v63  }
0x40: {  	v2 =	vand.u32 $0x3800, v0;
	v1 =	vadd.s32 v1, v3  }
0x41: {  	s16 =	simm.s32 $0x20;
	s17 =	sadd.s32 $0x10, s15;
	s15 =	smov.u32 s14;
	vm1 =	veq.s32 v0, $0x80000000;
	v4 =	vand.u32 $0x1, v0;
	v3 =	vshrl.u32 v0, $0xE  }
.LBB2_3:
0x42: {  	v4 =	vsel vm1, $0xFFFFFFFF, v4;
	v5 =	vshrl.u32 v0, $0x1;
	v0 =	vld.msk [tilespmem:s17+$0x0 ss:$0x1], $0xffff;
	v3 =	vand.u32 $0x3, v3  }
0x43: {  	s16 =	sadd.s32 $0x10, s16;
	v5 =	vand.u32 $0x3FF, v5;
	v3 =	vmul.u32 $0x3800, v3;
	v6 =	vshll.u32 v4, $0x7  }
0x44: {  	s15 =	sadd.s32 $0x10, s15;
	p0 =	slt.u32 s16, $0x220;
	v4 =	vand.u32 $0xFFFFF800, v4;
	v5 =	vsel vm1, $0xFFFFFFFF, v5;
	v6 =	vand.u32 $0x80, v6;
	(ifvalue) =	ssetifvalue $0x7FFFFFFF  }
0x45: {  	[tilespmem:s15], [sflag:$0x1] =	stream.indirect_vreg.gather [hbm4b:s2+s10], $0x1, v1, vm0, $0x4038;
	[tilespmem:$0x8C0] =	vst v63  }
.Ltmp3:
0x46: {  	v7 =	vand.u32 $0x7F, v5;
	v2 =	vadd.s32 v2, v3;
	v3 =	vor.u32 v4, v6;
	(pc) =	sbr.rel @p0 .LBB2_3-.Ltmp3, $4  }
0x47: {  	v1 =	vsel vm1, $0xFFFFC000, v2;
	v2 =	vshll.u32 v5, $0x1;
	v3 =	vor.u32 v7, v3  }
0x48: {  	v4 =	vand.u32 $0xFFFFFF00, v2;
	v1 =	vadd.s32 v1, v3  }
0x49: {  	v2 =	vand.u32 $0x3800, v0;
	v1 =	vadd.s32 v4, v1  }
0x4a: {  	s17 =	sadd.s32 $0x10, s17;
	vm1 =	veq.s32 v0, $0x80000000;
	v3 =	vshrl.u32 v0, $0xE;
	v4 =	vand.u32 $0x1, v0  }
.Ltmp4:
0x4b: {  	_ = 	snop;
	(pc) =	sbr.rel .LBB2_4-.Ltmp4, $1  }
0x4c: {  	_ =	sdelay $0x3  }
.LBB2_6:
0x4d: {  	_ =	sfence.sel $0x180000  }
0x4e: {  	s2 =	simm.s32 $0x2;
	[bflag:$0x0] =	sbarrier.arrive $0xFFFF  }
0x4f: {  	s30 =	simm.s32 $0x3;
	[sflag:s2] =	ssyncpa.u1 $0x1  }
0x50: {  	s31 =	simm.s32 $0x1;
	[sflag:s30] =	ssyncpa.u1 $0x1  }
0x51: {  	[sflag:s31] =	ssyncpa.u1 $0x1  }
0x52: {  	p0 =	sne.s32 s1, $0x0;
	_ =	strace $0x90000053  }
0x53: {  	s0 =	sadd.s32 @!p0 $0x100000, s0;
	[bflag:$0x2] =	sbarrier.arrive $0xFFFF  }
0x54: {  	[sflag:s0] =	ssyncadd.tile.s32 @!p0 $0x1;
	_ =	shalt  }
.Lfunc_end2:
_tile_overlayer_lowered:
.L_overlay_start_2:
0x55: {  	(tag) =	ssettag $0x2  }
0x56: {  	s0 =	rddreg [dreg:$0x0];
	s2 =	stileid.u32  }
0x57: {  	s1 =	rddreg [dreg:$0x1];
	p0 =	sne.s32 s2, $0x0  }
0x58: {  	s3 =	rddreg [dreg:$0x2];
	[bflag:$0x3] =	sbarrier.arrive $0xFFFF;
	s2 =	simm.s32 @!p0 $0x1C01  }
0x59: {  	[timem:s3], [sflag:s2] =	dma.local @!p0 [hbm:s0], s1  }
0x5a: {  	s0 =	simm.s32 @!p0 $0x1  }
0x5b: {  	_ =	swait.ge @!p0 [sflag:s0], s1  }
0x5c: {  	s1 =	ssub.s32 @!p0 $0x0, s1;
	[sflag:s0] =	ssyncset.done @!p0 $0x0  }
0x5d: {  	[sflag:s0] =	ssyncadd.s32 @!p0 s1  }
0x5e: {  	[bflag:$0x3] =	sbarrier.arrive $0xFFFF  }
0x5f: {  	_ =	shalt  }

// kernel: gather_offload_async_start.2
scs
__scs_entry_jumppad:
0x0: {  	(pc) =	sbr.rel $0x88, $3  }
0x1: {  	(tag) =	ssettag $0x0;
	lr =	simm.s32 $0x1  }
0x2: {  	[smem:$0x3F80] =	sst lr;
	_ =	strace $0xD0000000  }
0x3: {  	_ = 	snop  }
0x4: {  	_ = 	snop  }
0x5: {  	_ = 	snop  }
0x6: {  	_ = 	snop  }
0x7: {  	_ = 	snop  }
__scs_overlays_trampoline_lowered:
0x8: {  	[smem:$0x3F8F] =	sst s0  }
0x9: {  	[smem:$0x3F90] =	sst s1  }
0xa: {  	[smem:$0x3F91] =	sst s2  }
0xb: {  	[smem:$0x3F92] =	sst s3  }
0xc: {  	[smem:$0x3F93] =	sst s4  }
0xd: {  	[smem:$0x3F94] =	sst s5  }
0xe: {  	[smem:$0x3F95] =	sst s6  }
0xf: {  	[smem:$0x3F96] =	sst s7  }
0x10: {  	[smem:$0x3F97] =	sst s8  }
0x11: {  	[smem:$0x3F98] =	sst s9;
	s0 =	simm.s32 @!p0 $0x0  }
0x12: {  	s1 =	sld [smem:$0x3F7E];
	s0 =	simm.s32 @p0 $0x1  }
0x13: {  	[smem:$0x3F99] =	sst s0;
	s0 =	simm.s32 @!p1 $0x0  }
0x14: {  	s2 =	sld [smem:$0x3F7D];
	s0 =	simm.s32 @p1 $0x1  }
0x15: {  	[smem:$0x3F9A] =	sst s0;
	s0 =	simm.s32 @!p2 $0x0  }
0x16: {  	s3 =	sld [smem:$0x3FDB];
	s0 =	simm.s32 @p2 $0x1  }
0x17: {  	s4 =	simm.s32 $0x1BF5;
	[smem:$0x3F9C] =	sst s0  }
0x18: {  	s0 =	sld [smem:$0x3F7F];
	_ =	swait.ge [sflag:s4], $0x0  }
0x19: {  	s7 =	sld [smem:$0x3F80]  }
0x1a: {  	s8 =	sadd.s32 $0xFFFFE003, lr  }
0x1b: {  	s9 =	sadd.s32 $0xFFFFFEF7, lr;
	s5 =	simm.s32 $0xFFFFFFFF;
	p2 =	slt.u32 s8, $0xFFFFF086  }
0x1c: {  	p1 =	slt.u32 s9, $0xF7A;
	s5 =	simm.s32 @!p2 $0x0  }
0x1d: {  	s5 =	simm.s32 @p1 $0x1;
	p0 =	seq.s32 s7, s2  }
0x1e: {  	s7 =	smul.u32 @!p0 $0xF7A, s2;
	p2 =	seq.s32 @!p0 s5, $0x0  }
0x1f: {  	s9 =	smul.u32 $0xF7A, s1;
	s8 =	simm.s32 @!p0 $0x1BF5;
	p2 =	por !p2, p0  }
0x20: {  	[sflag:s8] =	ssyncset.s32 @!p0 $0xFFFFF086;
	s6 =	sadd.s32 @!p0 s3, s7;
	s7 =	simm.s32 @!p0 $0x108  }
0x21: {  	s3 =	sadd.s32 s3, s9;
	s6 =	sadd.s32 @!p0 $0x88, s6;
	s7 =	simm.s32 @p2 $0x1082  }
0x22: {  	[simem:s7], [sflag:s8] =	dma.local @!p0 [hbm:s6], $0xF7A  }
0x23: {  	s9 =	sor.u32 $0xD0000000, s2;
	s6 =	simm.s32 $0x108;
	_ =	swait.ge @!p0 [sflag:s8], $0x0  }
0x24: {  	s3 =	sadd.s32 $0x88, s3;
	s6 =	simm.s32 @!p1 $0x1082;
	[sflag:s4] =	ssyncset.s32 $0xFFFFF086  }
0x25: {  	[simem:s6], [sflag:s4] =	dma.local [hbm:s3], $0xF7A  }
0x26: {  	[smem:$0x3F80] =	sst s1;
	(tag) =	ssettag s2;
	_ =	strace s9  }
0x27: {  	s1 =	sld [smem:$0x3F90]  }
0x28: {  	s2 =	sld [smem:$0x3F91]  }
0x29: {  	s4 =	sld [smem:$0x3F93]  }
0x2a: {  	p0 =	seq.s32 s5, $0x0;
	s5 =	sld [smem:$0x3F94]  }
0x2b: {  	s6 =	sld [smem:$0x3F95]  }
0x2c: {  	s7 =	sld [smem:$0x3F96]  }
0x2d: {  	s3 =	simm.s32 $0x108;
	s8 =	sld [smem:$0x3F97]  }
0x2e: {  	s3 =	simm.s32 @!p0 $0x1082;
	s9 =	sld [smem:$0x3F98]  }
0x2f: {  	lr =	sadd.s32 s0, s3;
	s0 =	sld [smem:$0x3F8F]  }
0x30: {  	s3 =	sld [smem:$0x3F92]  }
0x31: {  	[smem:$0x3F9B] =	sst s10  }
0x32: {  	s10 =	sld [smem:$0x3F99];
	_ =	sdelay $0x3  }
0x33: {  	p0 =	seq.s32 s10, $0x1;
	s10 =	sld [smem:$0x3F9B];
	_ =	sdelay $0x3  }
0x34: {  	[smem:$0x3F9B] =	sst s10  }
0x35: {  	s10 =	sld [smem:$0x3F9A];
	_ =	sdelay $0x3  }
0x36: {  	p1 =	seq.s32 s10, $0x1;
	s10 =	sld [smem:$0x3F9B];
	_ =	sdelay $0x3  }
0x37: {  	[smem:$0x3F9B] =	sst s10  }
0x38: {  	s10 =	sld [smem:$0x3F9C]  }
0x39: {  	_ = 	snop;
	(pc) =	sbr.ind lr, $3  }
0x3a: {  	_ = 	snop  }
0x3b: {  	_ = 	snop  }
0x3c: {  	p2 =	seq.s32 s10, $0x1;
	s10 =	sld [smem:$0x3F9B]  }
0x3d: {  	_ =	shalt  }
0x3e: {  	_ =	shalt  }
0x3f: {  	_ =	shalt  }
0x40: {  	_ =	shalt  }
0x41: {  	_ =	shalt  }
0x42: {  	_ =	shalt  }
0x43: {  	_ =	shalt  }
0x44: {  	_ =	shalt  }
0x45: {  	_ =	shalt  }
0x46: {  	_ =	shalt  }
0x47: {  	_ =	shalt  }
0x48: {  	_ =	shalt  }
0x49: {  	_ =	shalt  }
0x4a: {  	_ =	shalt  }
0x4b: {  	_ =	shalt  }
0x4c: {  	_ =	shalt  }
0x4d: {  	_ =	shalt  }
0x4e: {  	_ =	shalt  }
0x4f: {  	_ =	shalt  }
0x50: {  	_ =	shalt  }
0x51: {  	_ =	shalt  }
0x52: {  	_ =	shalt  }
0x53: {  	_ =	shalt  }
0x54: {  	_ =	shalt  }
0x55: {  	_ =	shalt  }
0x56: {  	_ =	shalt  }
0x57: {  	_ =	shalt  }
0x58: {  	_ =	shalt  }
0x59: {  	_ =	shalt  }
0x5a: {  	_ =	shalt  }
0x5b: {  	_ =	shalt  }
0x5c: {  	_ =	shalt  }
0x5d: {  	_ =	shalt  }
0x5e: {  	_ =	shalt  }
0x5f: {  	_ =	shalt  }
0x60: {  	_ =	shalt  }
0x61: {  	_ =	shalt  }
0x62: {  	_ =	shalt  }
0x63: {  	_ =	shalt  }
0x64: {  	_ =	shalt  }
0x65: {  	_ =	shalt  }
0x66: {  	_ =	shalt  }
0x67: {  	_ =	shalt  }
0x68: {  	_ =	shalt  }
0x69: {  	_ =	shalt  }
0x6a: {  	_ =	shalt  }
0x6b: {  	_ =	shalt  }
0x6c: {  	_ =	shalt  }
0x6d: {  	_ =	shalt  }
0x6e: {  	_ =	shalt  }
0x6f: {  	_ =	shalt  }
0x70: {  	_ =	shalt  }
0x71: {  	_ =	shalt  }
0x72: {  	_ =	shalt  }
0x73: {  	_ =	shalt  }
0x74: {  	_ =	shalt  }
0x75: {  	_ =	shalt  }
0x76: {  	_ =	shalt  }
0x77: {  	_ =	shalt  }
0x78: {  	_ =	shalt  }
0x79: {  	_ =	shalt  }
0x7a: {  	_ =	shalt  }
0x7b: {  	_ =	shalt  }
0x7c: {  	_ =	shalt  }
0x7d: {  	_ =	shalt  }
0x7e: {  	_ =	shalt  }
0x7f: {  	_ =	shalt  }
0x80: {  	_ =	shalt  }
0x81: {  	_ =	shalt  }
0x82: {  	_ =	shalt  }
0x83: {  	_ =	shalt  }
0x84: {  	_ =	shalt  }
0x85: {  	_ =	shalt  }
0x86: {  	_ =	shalt  }
0x87: {  	_ =	shalt  }
.Lfunc_end0:
.L_simem_size_0:
called_computation.5_lowered:
.L_overlay_start_0:
0x88: {  	s0 =	sld [smem:$0x3FD9]  }
0x89: {  	s1 =	sld [smem:$0x3FFE];
	_ =	sdelay $0x3  }
0x8a: {  	s0 =	sadd.s32 s1, s0  }
0x8b: {  	[smem:$0x3FA7] =	sst s0  }
0x8c: {  	_ = 	snop  }
0x8d: {  	(tm) =	ssettm $0x1  }
0x8e: {  	s15 =	sld [smem:$0x3FFB];
	_ =	sdelay $0x3  }
0x8f: {  	_ =	strace s15  }
0x90: {  	s0 =	sld [smem:$0x3FFC];
	_ =	sdelay $0x3  }
0x91: {  	_ =	strace s0  }
0x92: {  	s0 =	sld [smem:$0x3FFD];
	_ =	sdelay $0x3  }
0x93: {  	_ =	strace s0  }
0x94: {  	_ =	strace $0x8FFFFFFF  }
0x95: {  	s16 =	sld [smem:$0x3FDB];
	_ =	sdelay $0x1  }
0x96: {  	s17 =	simm.s32 $_scs_section_size  }
0x97: {  	s2 =	simm.s32 $_size__tile_overlayer_lowered;
	s3 =	simm.s32 $_tile_overlayer_lowered  }
0x98: {  	s20 =	simm.s32 $0x1BFF;
	s19 =	sshll.u32 s3, $0x1;
	s0 =	sadd.s32 s17, s16  }
0x99: {  	s4 =	simm.s32 $0x0;
	s18 =	sshll.u32 s2, $0x1;
	s2 =	sadd.s32 s19, s0  }
0x9a: {  	[timem:s4], [sflag:s20] =	dma.local [hbm:s2], s18  }
0x9b: {  	_ =	swait.ge [sflag:s20], s18  }
0x9c: {  	s1 =	ssub.s32 $0x0, s18;
	[sflag:s20] =	ssyncset.done $0x0  }
0x9d: {  	[sflag:s20] =	ssyncadd.s32 s1;
	_ =	sdelay $0x1  }
0x9e: {  	s21 =	simm.s32 $0x1B8B  }
0x9f: {  	_ =	swait.ge [sflag:s21], $0x1  }
0xa0: {  	[sflag:s21] =	ssyncset.done $0x0  }
0xa1: {  	s23 =	simm.s32 $0x1B8E;
	s22 =	sld [smem:$0x3FFE];
	[sflag:s21] =	ssyncadd.s32 $0xFFFFFFFF  }
0xa2: {  	s24 =	simm.s32 $execute0_lowered;
	[smem:$0x3FD2] =	sst s23  }
0xa3: {  	s2 =	sshll.u32 s24, $0x1;
	_ =	strace $0x8000004F;
	[dreg:$0x1] =	wrdreg $0xFFFFFFFF  }
0xa4: {  	s25 =	simm.s32 $_size_execute0_lowered;
	s0 =	sadd.s32 s0, s2;
	[dreg:$0x0] =	wrdreg $0x0  }
0xa5: {  	s2 =	sshll.u32 s25, $0x1;
	[dreg:$0x2] =	wrdreg s0  }
0xa6: {  	[dreg:$0x3] =	wrdreg s2  }
0xa7: {  	[dreg:$0x4] =	wrdreg $0xC0  }
0xa8: {  	_ =	task [dreg:s4], $0x5FFFF  }
0xa9: {  	[dreg:$0x1] =	wrdreg $0xFFFFFFFF  }
0xaa: {  	[dreg:$0x0] =	wrdreg $0x60  }
0xab: {  	[dreg:$0x2] =	wrdreg s22  }
0xac: {  	[dreg:$0x3] =	wrdreg $0xB  }
0xad: {  	_ =	task.clear_ibuf [dreg:s4], $0x4FFFF;
	_ =	strace $0x9000004F  }
0xae: {  	s26 =	simm.s32 $0xB;
	_ =	strace $0x80000051  }
0xaf: {  	_ =	swait.ge [sflag:s26], $0x1  }
0xb0: {  	[sflag:s26] =	ssyncadd.s32 $0xFFFFFFFF  }
0xb1: {  	_ =	strace $0x90000051  }
0xb2: {  	_ =	sfence  }
0xb3: {  	s28 =	sld [smem:$0x0];
	_ =	sdelay $0x1  }
0xb4: {  	s29 =	srdreg.scid  }
0xb5: {  	s30 =	sshll.u32 s29, $0xD;
	s31 =	sshrl.u32 s29, $0x2  }
0xb6: {  	s1 =	sand.u32 $0x1, s29;
	s2 =	sand.u32 $0x4000, s30;
	s0 =	sadd.s32 s31, s28  }
0xb7: {  	s1 =	sor.u32 s2, s1;
	s0 =	sshll.u32 s0, $0x11  }
0xb8: {  	s0 =	sor.u32 s0, s1  }
0xb9: {  	s0 =	sadd.s32 $0x8F2B, s0  }
0xba: {  	[sflag:s0] =	ssyncadd.remote.s32 $0x1  }
0xbb: {  	_ =	sfence.sel $0xFFFF  }
0xbc: {  	[dreg:$0x0] =	wrdreg $0xFFFFFFFF;
	(pc) =	sbr.abs _section_cstart, $3  }
0xbd: {  	[dreg:$0x1] =	wrdreg $0xFFFFFFFF  }
0xbe: {  	_ =	task.clear_ibuf [dreg:s4], $0x2FFFF;
	_ =	strace $0x9FFFFFFF  }
0xbf: {  	(tm) =	ssettm $0x7FFFFFFF  }
tec
execute0_lowered:
.L_overlay_start_1:
0x0: {  	(tag) =	ssettag $0x1  }
0x1: {  	s8 =	rddreg [dreg:$0x0]  }
0x2: {  	s0 =	rddreg [dreg:$0x1];
	_ =	strace $0x80000050  }
0x3: {  	s4 =	simm.s32 $0x1;
	s1 =	stileid.u32;
	s7 =	simm.s32 $0x1  }
0x4: {  	s9 =	simm.s32 $0x1;
	s6 =	simm.s32 $0x2;
	s10 =	simm.s32 $0x3  }
0x5: {  	s13 =	simm.s32 $0x0;
	s12 =	simm.s32 $0x0;
	s2 =	sadd.s32 $0x48C000, s8  }
.Ltmp0:
0x6: {  	s3 =	sadd.s32 $0x7400, s8;
	p0 =	slt.u32 s1, $0xA;
	(pc) =	sbr.rel .LBB2_1-.Ltmp0, $4  }
0x7: {  	[sflag:s4] =	ssyncpa.u1 $0x0;
	s7 =	simm.s32 @!p0 $0x0;
	p0 =	sne.s32 s1, $0x9  }
0x8: {  	s5 =	smul.u32 $0x190, s1;
	[sflag:s6] =	ssyncpa.u1 $0x0;
	s9 =	simm.s32 @!p0 $0x0  }
0x9: {  	s8 =	sadd.s32 $0x107C00, s8;
	[sflag:s10] =	ssyncpa.u1 $0x0;
	s7 =	sadd.s32 s9, s7  }
0xa: {  	vm0 =	vmmov $0xffff;
	s10 =	simm.s32 $0x0;
	s11 =	smov.u32 s5;
	s9 =	sadd.s32 $0x1, s7  }
.LBB2_4:
0xb: {  	vm1 =	veq.s32 v0, $0x80000000;
	v3 =	vand.u32 $0x1, v0;
	v62 =	vshll.u32 v0, $0x10  }
0xc: {  	v2 =	vand.u32 $0xFFFF, v2;
	v3 =	vsel vm1, $0xFFFFFFFF, v3;
	v0 =	vand.u32 $0xE0000, v62  }
0xd: {  	v0 =	vsel vm1, $0xFFFE0000, v0;
	v4 =	vand.u32 $0xFFFE0000, v3;
	v3 =	vshll.u32 v3, $0x7  }
0xe: {  	v2 =	vsel vm1, $0xFFFFFFFF, v2;
	v0 =	vadd.s32 v4, v0;
	v3 =	vand.u32 $0x80, v3  }
0xf: {  	v63 =	vand.u32 $0x7F, v2;
	v2 =	vshll.u32 v2, $0x1;
	v0 =	vor.u32 v3, v0  }
0x10: {  	v2 =	vand.u32 $0xFFFFFF00, v2;
	v0 =	vor.u32 v63, v0  }
0x11: {  	v0 =	vadd.s32 v2, v0;
	_ =	sdelay $0x1  }
0x12: {  	(ifvalue) =	ssetifvalue $0x7FFFFFFF;
	s15 =	sadd.s32 $0x10, s15  }
0x13: {  	[tilespmem:s15], [sflag:$0x1] =	stream.indirect_vreg.gather [hbm4b:s2+s10], $0x1, v1, vm0, $0x4038;
	[tilespmem:$0x640] =	vst v63  }
0x14: {  	(ifvalue) =	ssetifvalue $0x7FFFFFFF;
	s15 =	sadd.s32 $0x10, s15  }
0x15: {  	[tilespmem:s15], [sflag:$0x1] =	stream.indirect_vreg.gather [hbm4b:s2+s10], $0x1, v0, vm0, $0x4038;
	[tilespmem:$0x640] =	vst v63  }
0x16: {  	_ =	swait.ge [sflag:s4], $0x190  }
0x17: {  	s30 =	sshrl.u32 s13, $0x3;
	[sflag:s4] =	ssyncset.done $0x0  }
0x18: {  	s31 =	sand.u32 $0x7, s13;
	s15 =	sadd.s32 s8, s30;
	[sflag:s4] =	ssyncadd.s32 $0xFFFFFE70  }
0x19: {  	[hbm4b:s15+s31] =	stream.linear.scatter [tilespmem:s14], [sflag:$0x3], $0x190, $0x38;
	[tilespmem:$0x640] =	vst v63  }
.LBB2_5:
0x1a: {  	s15 =	sadd.s32 $0x1900, s11  }
0x1b: {  	p1 =	sgt.s32 s15, $0x270F  }
0x1c: {  	s15 =	smov.u32 @p1 s5;
	p1 =	sne.s32 s12, s9  }
.Ltmp1:
0x1d: {  	p0 =	slt.u32 s12, $0x2;
	(pc) =	sbr.rel @!p1 .LBB2_6-.Ltmp1, $4  }
0x1e: {  	s14 =	simm.s32 @!p0 $0x3  }
0x1f: {  	_ =	swait.ge @!p0 [sflag:s14], $0x190  }
0x20: {  	s16 =	sadd.s32 $0x1, s12;
	s13 =	smov.u32 s11;
	[sflag:s14] =	ssyncset.done @!p0 $0x0  }
0x21: {  	s12 =	smov.u32 s16;
	s11 =	smov.u32 s15;
	[sflag:s14] =	ssyncadd.s32 @!p0 $0xFFFFFE70  }
.LBB2_1:
0x22: {  	p0 =	sge.u32 s12, s7  }
0x23: {  	s14 =	sxor.u32 @!p0 $0x1, s12  }
0x24: {  	s14 =	smul.u32 @!p0 $0x640, s14  }
0x25: {  	s31 =	sadd.s32 $0xFFFFFFFF, s12;
	s15 =	sshrl.u32 @!p0 s11, $0x3  }
0x26: {  	s16 =	sand.u32 @!p0 $0x7, s11;
	s15 =	sadd.s32 @!p0 s3, s15;
	s14 =	sshra.s32 @!p0 s14, $0x2  }
0x27: {  	[tilespmem:s14], [sflag:$0x2] =	stream.linear.gather @!p0 [hbm4b:s15+s16], $0x190, $0x38;
	[tilespmem:$0x640] =	vst v63  }
0x28: {  	p0 =	sge.u32 s31, s7  }
.Ltmp2:
0x29: {  	_ = 	snop;
	(pc) =	sbr.rel @p0 .LBB2_5-.Ltmp2, $1  }
0x2a: {  	_ =	sdelay $0x3  }
0x2b: {  	s14 =	sand.u32 $0x1, s12  }
0x2c: {  	_ =	swait.ge [sflag:s6], $0x190;
	p0 =	seq.s32 s14, $0x1;
	s14 =	simm.s32 $0x190  }
0x2d: {  	[sflag:s6] =	ssyncset.done $0x0;
	s14 =	simm.s32 @!p0 $0x0  }
0x2e: {  	[sflag:s6] =	ssyncadd.s32 $0xFFFFFE70;
	(ifvalue) =	ssetifvalue $0x7FFFFFFF;
	v0 =	vld.msk [tilespmem:s14+$0x0 ss:$0x1], $0xffff;
	_ =	sdelay $0x1  }
0x2f: {  	s15 =	sadd.s32 $0x10, s14  }
0x30: {  	v3 =	vld.msk [tilespmem:s15+$0x0 ss:$0x1], $0xffff;
	_ =	sdelay $0x1  }
0x31: {  	v1 =	vshrl.u32 v0, $0x4  }
0x32: {  	vm1 =	veq.s32 v0, $0x80000000;
	v2 =	vand.u32 $0x1, v0;
	v0 =	vshll.u32 v0, $0x10  }
0x33: {  	v2 =	vsel vm1, $0xFFFFFFFF, v2;
	v0 =	vand.u32 $0xE0000, v0  }
0x34: {  	v1 =	vand.u32 $0xFFFF, v1;
	v62 =	vand.u32 $0x1, v3;
	v0 =	vsel vm1, $0xFFFE0000, v0  }
0x35: {  	v4 =	vand.u32 $0xFFFE0000, v2;
	v2 =	vshll.u32 v2, $0x7;
	v1 =	vsel vm1, $0xFFFFFFFF, v1  }
0x36: {  	vm1 =	veq.s32 v3, $0x80000000;
	v0 =	vadd.s32 v4, v0;
	v2 =	vand.u32 $0x80, v2  }
0x37: {  	v61 =	vand.u32 $0x7F, v1;
	v1 =	vshll.u32 v1, $0x1;
	v0 =	vor.u32 v2, v0  }
0x38: {  	v4 =	vsel vm1, $0xFFFFFFFF, v62;
	v1 =	vand.u32 $0xFFFFFF00, v1;
	v0 =	vor.u32 v61, v0  }
0x39: {  	s15 =	sadd.s32 $0x10, s15;
	v2 =	vshrl.u32 v3, $0x4;
	v3 =	vshll.u32 v3, $0x10;
	v1 =	vadd.s32 v1, v0  }
0x3a: {  	v5 =	vand.u32 $0xFFFE0000, v4;
	v3 =	vand.u32 $0xE0000, v3;
	v0 =	vld.msk [tilespmem:s15+$0x0 ss:$0x1], $0xffff  }
0x3b: {  	v4 =	vshll.u32 v4, $0x7;
	v2 =	vand.u32 $0xFFFF, v2;
	v3 =	vsel vm1, $0xFFFE0000, v3  }
0x3c: {  	v4 =	vand.u32 $0x80, v4;
	v2 =	vsel vm1, $0xFFFFFFFF, v2;
	v3 =	vadd.s32 v5, v3  }
0x3d: {  	s14 =	sadd.s32 $0x320, s14;
	(ifvalue) =	ssetifvalue $0x7FFFFFFF;
	v63 =	vand.u32 $0x7F, v2;
	v2 =	vshll.u32 v2, $0x1;
	v3 =	vor.u32 v4, v3  }
0x3e: {  	v3 =	vor.u32 v63, v3;
	[tilespmem:s14], [sflag:$0x1] =	stream.indirect_vreg.gather [hbm4b:s2+s10], $0x1, v1, vm0, $0x4038;
	v1 =	vand.u32 $0xFFFFFF00, v2;
	[tilespmem:$0x640] =	vst v63  }
0x3f: {  	s16 =	simm.s32 $0x20;
	s17 =	sadd.s32 $0x10, s15;
	s15 =	smov.u32 s14;
	v2 =	vshrl.u32 v0, $0x4;
	v1 =	vadd.s32 v1, v3  }
.LBB2_3:
0x40: {  	vm1 =	veq.s32 v0, $0x80000000;
	v3 =	vand.u32 $0x1, v0;
	v4 =	vshll.u32 v0, $0x10;
	v0 =	vld.msk [tilespmem:s17+$0x0 ss:$0x1], $0xffff;
	s16 =	sadd.s32 $0x10, s16  }
0x41: {  	v2 =	vand.u32 $0xFFFF, v2;
	v3 =	vsel vm1, $0xFFFFFFFF, v3;
	v4 =	vand.u32 $0xE0000, v4;
	p0 =	slt.u32 s16, $0x180  }
.Ltmp3:
0x42: {  	v4 =	vsel vm1, $0xFFFE0000, v4;
	v5 =	vand.u32 $0xFFFE0000, v3;
	v3 =	vshll.u32 v3, $0x7;
	(pc) =	sbr.rel @p0 .LBB2_3-.Ltmp3, $4  }
0x43: {  	s15 =	sadd.s32 $0x10, s15;
	v2 =	vsel vm1, $0xFFFFFFFF, v2;
	v4 =	vadd.s32 v5, v4;
	v3 =	vand.u32 $0x80, v3;
	(ifvalue) =	ssetifvalue $0x7FFFFFFF  }
0x44: {  	v5 =	vand.u32 $0x7F, v2;
	v2 =	vshll.u32 v2, $0x1;
	v3 =	vor.u32 v3, v4;
	[tilespmem:s15], [sflag:$0x1] =	stream.indirect_vreg.gather [hbm4b:s2+s10], $0x1, v1, vm0, $0x4038;
	[tilespmem:$0x640] =	vst v63  }
0x45: {  	v1 =	vand.u32 $0xFFFFFF00, v2;
	v3 =	vor.u32 v5, v3  }
0x46: {  	s17 =	sadd.s32 $0x10, s17;
	v2 =	vshrl.u32 v0, $0x4;
	v1 =	vadd.s32 v1, v3  }
.Ltmp4:
0x47: {  	_ = 	snop;
	(pc) =	sbr.rel .LBB2_4-.Ltmp4, $1  }
0x48: {  	_ =	sdelay $0x3  }
.LBB2_6:
0x49: {  	_ =	sfence.sel $0x180000  }
0x4a: {  	s2 =	simm.s32 $0x2;
	[bflag:$0x0] =	sbarrier.arrive $0xFFFF  }
0x4b: {  	s30 =	simm.s32 $0x3;
	[sflag:s2] =	ssyncpa.u1 $0x1  }
0x4c: {  	s31 =	simm.s32 $0x1;
	[sflag:s30] =	ssyncpa.u1 $0x1  }
0x4d: {  	[sflag:s31] =	ssyncpa.u1 $0x1  }
0x4e: {  	p0 =	sne.s32 s1, $0x0;
	_ =	strace $0x90000050  }
0x4f: {  	s0 =	sadd.s32 @!p0 $0x100000, s0;
	[bflag:$0x2] =	sbarrier.arrive $0xFFFF  }
0x50: {  	[sflag:s0] =	ssyncadd.tile.s32 @!p0 $0x1;
	_ =	shalt  }
.Lfunc_end2:
_tile_overlayer_lowered:
.L_overlay_start_2:
0x51: {  	(tag) =	ssettag $0x2  }
0x52: {  	s0 =	rddreg [dreg:$0x0];
	s2 =	stileid.u32  }
0x53: {  	s1 =	rddreg [dreg:$0x1];
	p0 =	sne.s32 s2, $0x0  }
0x54: {  	s3 =	rddreg [dreg:$0x2];
	[bflag:$0x3] =	sbarrier.arrive $0xFFFF;
	s2 =	simm.s32 @!p0 $0x1C01  }
0x55: {  	[timem:s3], [sflag:s2] =	dma.local @!p0 [hbm:s0], s1  }
0x56: {  	s0 =	simm.s32 @!p0 $0x1  }
0x57: {  	_ =	swait.ge @!p0 [sflag:s0], s1  }
0x58: {  	s1 =	ssub.s32 @!p0 $0x0, s1;
	[sflag:s0] =	ssyncset.done @!p0 $0x0  }
0x59: {  	[sflag:s0] =	ssyncadd.s32 @!p0 s1  }
0x5a: {  	[bflag:$0x3] =	sbarrier.arrive $0xFFFF  }
0x5b: {  	_ =	shalt  }

// kernel: gather_offload_async_start
scs
__scs_entry_jumppad:
0x0: {  	(pc) =	sbr.rel $0x88, $3  }
0x1: {  	(tag) =	ssettag $0x0;
	lr =	simm.s32 $0x1  }
0x2: {  	[smem:$0x3F80] =	sst lr;
	_ =	strace $0xD0000000  }
0x3: {  	_ = 	snop  }
0x4: {  	_ = 	snop  }
0x5: {  	_ = 	snop  }
0x6: {  	_ = 	snop  }
0x7: {  	_ = 	snop  }
__scs_overlays_trampoline_lowered:
0x8: {  	[smem:$0x3F8F] =	sst s0  }
0x9: {  	[smem:$0x3F90] =	sst s1  }
0xa: {  	[smem:$0x3F91] =	sst s2  }
0xb: {  	[smem:$0x3F92] =	sst s3  }
0xc: {  	[smem:$0x3F93] =	sst s4  }
0xd: {  	[smem:$0x3F94] =	sst s5  }
0xe: {  	[smem:$0x3F95] =	sst s6  }
0xf: {  	[smem:$0x3F96] =	sst s7  }
0x10: {  	[smem:$0x3F97] =	sst s8  }
0x11: {  	[smem:$0x3F98] =	sst s9;
	s0 =	simm.s32 @!p0 $0x0  }
0x12: {  	s1 =	sld [smem:$0x3F7E];
	s0 =	simm.s32 @p0 $0x1  }
0x13: {  	[smem:$0x3F99] =	sst s0;
	s0 =	simm.s32 @!p1 $0x0  }
0x14: {  	s2 =	sld [smem:$0x3F7D];
	s0 =	simm.s32 @p1 $0x1  }
0x15: {  	[smem:$0x3F9A] =	sst s0;
	s0 =	simm.s32 @!p2 $0x0  }
0x16: {  	s3 =	sld [smem:$0x3FDB];
	s0 =	simm.s32 @p2 $0x1  }
0x17: {  	s4 =	simm.s32 $0x1BF5;
	[smem:$0x3F9C] =	sst s0  }
0x18: {  	s0 =	sld [smem:$0x3F7F];
	_ =	swait.ge [sflag:s4], $0x0  }
0x19: {  	s7 =	sld [smem:$0x3F80]  }
0x1a: {  	s8 =	sadd.s32 $0xFFFFE003, lr  }
0x1b: {  	s9 =	sadd.s32 $0xFFFFFEF7, lr;
	s5 =	simm.s32 $0xFFFFFFFF;
	p2 =	slt.u32 s8, $0xFFFFF086  }
0x1c: {  	p1 =	slt.u32 s9, $0xF7A;
	s5 =	simm.s32 @!p2 $0x0  }
0x1d: {  	s5 =	simm.s32 @p1 $0x1;
	p0 =	seq.s32 s7, s2  }
0x1e: {  	s7 =	smul.u32 @!p0 $0xF7A, s2;
	p2 =	seq.s32 @!p0 s5, $0x0  }
0x1f: {  	s9 =	smul.u32 $0xF7A, s1;
	s8 =	simm.s32 @!p0 $0x1BF5;
	p2 =	por !p2, p0  }
0x20: {  	[sflag:s8] =	ssyncset.s32 @!p0 $0xFFFFF086;
	s6 =	sadd.s32 @!p0 s3, s7;
	s7 =	simm.s32 @!p0 $0x108  }
0x21: {  	s3 =	sadd.s32 s3, s9;
	s6 =	sadd.s32 @!p0 $0x88, s6;
	s7 =	simm.s32 @p2 $0x1082  }
0x22: {  	[simem:s7], [sflag:s8] =	dma.local @!p0 [hbm:s6], $0xF7A  }
0x23: {  	s9 =	sor.u32 $0xD0000000, s2;
	s6 =	simm.s32 $0x108;
	_ =	swait.ge @!p0 [sflag:s8], $0x0  }
0x24: {  	s3 =	sadd.s32 $0x88, s3;
	s6 =	simm.s32 @!p1 $0x1082;
	[sflag:s4] =	ssyncset.s32 $0xFFFFF086  }
0x25: {  	[simem:s6], [sflag:s4] =	dma.local [hbm:s3], $0xF7A  }
0x26: {  	[smem:$0x3F80] =	sst s1;
	(tag) =	ssettag s2;
	_ =	strace s9  }
0x27: {  	s1 =	sld [smem:$0x3F90]  }
0x28: {  	s2 =	sld [smem:$0x3F91]  }
0x29: {  	s4 =	sld [smem:$0x3F93]  }
0x2a: {  	p0 =	seq.s32 s5, $0x0;
	s5 =	sld [smem:$0x3F94]  }
0x2b: {  	s6 =	sld [smem:$0x3F95]  }
0x2c: {  	s7 =	sld [smem:$0x3F96]  }
0x2d: {  	s3 =	simm.s32 $0x108;
	s8 =	sld [smem:$0x3F97]  }
0x2e: {  	s3 =	simm.s32 @!p0 $0x1082;
	s9 =	sld [smem:$0x3F98]  }
0x2f: {  	lr =	sadd.s32 s0, s3;
	s0 =	sld [smem:$0x3F8F]  }
0x30: {  	s3 =	sld [smem:$0x3F92]  }
0x31: {  	[smem:$0x3F9B] =	sst s10  }
0x32: {  	s10 =	sld [smem:$0x3F99];
	_ =	sdelay $0x3  }
0x33: {  	p0 =	seq.s32 s10, $0x1;
	s10 =	sld [smem:$0x3F9B];
	_ =	sdelay $0x3  }
0x34: {  	[smem:$0x3F9B] =	sst s10  }
0x35: {  	s10 =	sld [smem:$0x3F9A];
	_ =	sdelay $0x3  }
0x36: {  	p1 =	seq.s32 s10, $0x1;
	s10 =	sld [smem:$0x3F9B];
	_ =	sdelay $0x3  }
0x37: {  	[smem:$0x3F9B] =	sst s10  }
0x38: {  	s10 =	sld [smem:$0x3F9C]  }
0x39: {  	_ = 	snop;
	(pc) =	sbr.ind lr, $3  }
0x3a: {  	_ = 	snop  }
0x3b: {  	_ = 	snop  }
0x3c: {  	p2 =	seq.s32 s10, $0x1;
	s10 =	sld [smem:$0x3F9B]  }
0x3d: {  	_ =	shalt  }
0x3e: {  	_ =	shalt  }
0x3f: {  	_ =	shalt  }
0x40: {  	_ =	shalt  }
0x41: {  	_ =	shalt  }
0x42: {  	_ =	shalt  }
0x43: {  	_ =	shalt  }
0x44: {  	_ =	shalt  }
0x45: {  	_ =	shalt  }
0x46: {  	_ =	shalt  }
0x47: {  	_ =	shalt  }
0x48: {  	_ =	shalt  }
0x49: {  	_ =	shalt  }
0x4a: {  	_ =	shalt  }
0x4b: {  	_ =	shalt  }
0x4c: {  	_ =	shalt  }
0x4d: {  	_ =	shalt  }
0x4e: {  	_ =	shalt  }
0x4f: {  	_ =	shalt  }
0x50: {  	_ =	shalt  }
0x51: {  	_ =	shalt  }
0x52: {  	_ =	shalt  }
0x53: {  	_ =	shalt  }
0x54: {  	_ =	shalt  }
0x55: {  	_ =	shalt  }
0x56: {  	_ =	shalt  }
0x57: {  	_ =	shalt  }
0x58: {  	_ =	shalt  }
0x59: {  	_ =	shalt  }
0x5a: {  	_ =	shalt  }
0x5b: {  	_ =	shalt  }
0x5c: {  	_ =	shalt  }
0x5d: {  	_ =	shalt  }
0x5e: {  	_ =	shalt  }
0x5f: {  	_ =	shalt  }
0x60: {  	_ =	shalt  }
0x61: {  	_ =	shalt  }
0x62: {  	_ =	shalt  }
0x63: {  	_ =	shalt  }
0x64: {  	_ =	shalt  }
0x65: {  	_ =	shalt  }
0x66: {  	_ =	shalt  }
0x67: {  	_ =	shalt  }
0x68: {  	_ =	shalt  }
0x69: {  	_ =	shalt  }
0x6a: {  	_ =	shalt  }
0x6b: {  	_ =	shalt  }
0x6c: {  	_ =	shalt  }
0x6d: {  	_ =	shalt  }
0x6e: {  	_ =	shalt  }
0x6f: {  	_ =	shalt  }
0x70: {  	_ =	shalt  }
0x71: {  	_ =	shalt  }
0x72: {  	_ =	shalt  }
0x73: {  	_ =	shalt  }
0x74: {  	_ =	shalt  }
0x75: {  	_ =	shalt  }
0x76: {  	_ =	shalt  }
0x77: {  	_ =	shalt  }
0x78: {  	_ =	shalt  }
0x79: {  	_ =	shalt  }
0x7a: {  	_ =	shalt  }
0x7b: {  	_ =	shalt  }
0x7c: {  	_ =	shalt  }
0x7d: {  	_ =	shalt  }
0x7e: {  	_ =	shalt  }
0x7f: {  	_ =	shalt  }
0x80: {  	_ =	shalt  }
0x81: {  	_ =	shalt  }
0x82: {  	_ =	shalt  }
0x83: {  	_ =	shalt  }
0x84: {  	_ =	shalt  }
0x85: {  	_ =	shalt  }
0x86: {  	_ =	shalt  }
0x87: {  	_ =	shalt  }
.Lfunc_end0:
.L_simem_size_0:
called_computation.3_lowered:
.L_overlay_start_0:
0x88: {  	s2 =	sld [smem:$0x3FD9]  }
0x89: {  	s3 =	sld [smem:$0x3FFE];
	_ =	sdelay $0x1  }
0x8a: {  	s1 =	srdreg.scid  }
0x8b: {  	s0 =	sand.u32 $0x1, s1  }
0x8c: {  	s14 =	sshll.u32 s0, $0xA;
	s2 =	sadd.s32 s3, s2  }
0x8d: {  	s2 =	sadd.s32 s2, s14  }
0x8e: {  	[smem:$0x3FA7] =	sst s2  }
0x8f: {  	_ = 	snop  }
0x90: {  	s2 =	sld [smem:$0x3FD0];
	_ =	sdelay $0x2  }
0x91: {  	s15 =	simm.s32 $0xC;
	s4 =	simm.s32 $0x10  }
0x92: {  	[smem:s4], [sflag:s15] =	dma.local [hbm:s2], $0x1  }
0x93: {  	_ =	swait.eq [sflag:s15], $0x1  }
0x94: {  	[sflag:s15] =	ssyncset.done $0x0  }
0x95: {  	s16 =	sld [smem:$0x11];
	[sflag:s15] =	ssyncadd.s32 $0xFFFFFFFF  }
0x96: {  	s17 =	sld [smem:$0x13];
	(tm) =	ssettm $0x1  }
0x97: {  	s18 =	sld [smem:$0x3FFB];
	_ =	sdelay $0x3  }
0x98: {  	_ =	strace s18  }
0x99: {  	s4 =	sld [smem:$0x3FFC];
	_ =	sdelay $0x3  }
0x9a: {  	_ =	strace s4  }
0x9b: {  	s4 =	sld [smem:$0x3FFD];
	_ =	sdelay $0x3  }
0x9c: {  	_ =	strace s4  }
0x9d: {  	_ =	strace $0x8FFFFFFF  }
0x9e: {  	s19 =	sld [smem:$0x3FDB];
	_ =	sdelay $0x1  }
0x9f: {  	s5 =	simm.s32 $_scs_section_size  }
0xa0: {  	s6 =	simm.s32 $_size__tile_overlayer_lowered;
	s7 =	simm.s32 $_tile_overlayer_lowered  }
0xa1: {  	s22 =	simm.s32 $0x1BFF;
	s21 =	sshll.u32 s7, $0x1;
	s4 =	sadd.s32 s5, s19  }
0xa2: {  	s8 =	simm.s32 $0x0;
	s20 =	sshll.u32 s6, $0x1;
	s6 =	sadd.s32 s21, s4  }
0xa3: {  	[timem:s8], [sflag:s22] =	dma.local [hbm:s6], s20  }
0xa4: {  	_ =	swait.ge [sflag:s22], s20  }
0xa5: {  	s5 =	ssub.s32 $0x0, s20;
	[sflag:s22] =	ssyncset.done $0x0  }
0xa6: {  	[sflag:s22] =	ssyncadd.s32 s5;
	_ =	sdelay $0x1  }
0xa7: {  	s23 =	simm.s32 $0x1B8B  }
0xa8: {  	_ =	swait.ge [sflag:s23], $0x1  }
0xa9: {  	[sflag:s23] =	ssyncset.done $0x0  }
0xaa: {  	s25 =	simm.s32 $0x1B8E;
	s24 =	sld [smem:$0x3FFE];
	[sflag:s23] =	ssyncadd.s32 $0xFFFFFFFF  }
0xab: {  	s26 =	simm.s32 $execute0_lowered;
	[smem:$0x3FD2] =	sst s25  }
0xac: {  	s6 =	sshll.u32 s26, $0x1;
	_ =	strace $0x8000004C;
	[dreg:$0x1] =	wrdreg $0xFFFFFFFF  }
0xad: {  	s28 =	simm.s32 $_size_execute0_lowered;
	s4 =	sadd.s32 s4, s6;
	[dreg:$0x0] =	wrdreg $0x0  }
0xae: {  	s6 =	sshll.u32 s28, $0x1;
	[dreg:$0x2] =	wrdreg s4  }
0xaf: {  	[dreg:$0x3] =	wrdreg s6  }
0xb0: {  	[dreg:$0x4] =	wrdreg $0xC0  }
0xb1: {  	_ =	task [dreg:s8], $0x5FFFF  }
0xb2: {  	[dreg:$0x1] =	wrdreg $0xFFFFFFFF  }
0xb3: {  	[dreg:$0x0] =	wrdreg $0x60  }
0xb4: {  	[dreg:$0x2] =	wrdreg s24  }
0xb5: {  	[dreg:$0x3] =	wrdreg s17  }
0xb6: {  	[dreg:$0x4] =	wrdreg s16  }
0xb7: {  	[dreg:$0x5] =	wrdreg $0x9  }
0xb8: {  	_ =	task.clear_ibuf [dreg:s8], $0x6FFFF;
	_ =	strace $0x9000004C  }
0xb9: {  	s29 =	simm.s32 $0x9;
	_ =	strace $0x8000004E  }
0xba: {  	_ =	swait.ge [sflag:s29], $0x1  }
0xbb: {  	[sflag:s29] =	ssyncadd.s32 $0xFFFFFFFF  }
0xbc: {  	_ =	strace $0x9000004E  }
0xbd: {  	_ =	sfence  }
0xbe: {  	s30 =	sld [smem:$0x0];
	_ =	sdelay $0x2  }
0xbf: {  	s31 =	sshll.u32 s1, $0xD;
	s1 =	sshrl.u32 s1, $0x2  }
0xc0: {  	s3 =	sand.u32 $0x4000, s31;
	s1 =	sadd.s32 s1, s30  }
0xc1: {  	s0 =	sor.u32 s3, s0;
	s1 =	sshll.u32 s1, $0x11  }
0xc2: {  	s0 =	sor.u32 s1, s0  }
0xc3: {  	s0 =	sadd.s32 $0x8F2B, s0  }
0xc4: {  	[sflag:s0] =	ssyncadd.remote.s32 $0x1  }
0xc5: {  	_ =	sfence.sel $0xFFFF  }
0xc6: {  	[dreg:$0x0] =	wrdreg $0xFFFFFFFF;
	(pc) =	sbr.abs _section_cstart, $3  }
0xc7: {  	[dreg:$0x1] =	wrdreg $0xFFFFFFFF  }
0xc8: {  	_ =	task.clear_ibuf [dreg:s8], $0x2FFFF;
	_ =	strace $0x9FFFFFFF  }
0xc9: {  	(tm) =	ssettm $0x7FFFFFFF  }
tec
execute0_lowered:
.L_overlay_start_1:
0x0: {  	(tag) =	ssettag $0x1  }
0x1: {  	s8 =	rddreg [dreg:$0x0]  }
0x2: {  	s2 =	rddreg [dreg:$0x1]  }
0x3: {  	s0 =	stileid.u32;
	s1 =	srdreg.scid  }
0x4: {  	s3 =	rddreg [dreg:$0x2];
	s9 =	simm.s32 $0x1;
	s10 =	simm.s32 $0x3  }
0x5: {  	s13 =	simm.s32 $0x0;
	s4 =	sand.u32 $0x1, s1;
	s5 =	sshll.u32 s0, $0x1  }
0x6: {  	s12 =	simm.s32 $0x0;
	s1 =	rddreg [dreg:$0x3];
	s6 =	sor.u32 s5, s4  }
0x7: {  	_ =	strace $0x8000004D;
	s8 =	sadd.s32 $0x7C00, s8;
	s4 =	smul.u32 $0x3200, s6  }
0x8: {  	s5 =	simm.s32 $0x1;
	p0 =	slt.u32 s6, $0x9;
	s6 =	simm.s32 $0x64000  }
.Ltmp0:
0x9: {  	s6 =	simm.s32 @!p0 $0x0;
	s7 =	ssub.s32 $0x7D000, s4;
	(pc) =	sbr.rel .LBB2_1-.Ltmp0, $4  }
0xa: {  	s9 =	simm.s32 @!p0 $0x0;
	p0 =	sne.s32 s7, s6;
	s7 =	simm.s32 $0x1  }
0xb: {  	[sflag:s5] =	ssyncpa.u1 $0x0;
	s6 =	simm.s32 $0x2;
	s7 =	simm.s32 @!p0 $0x0  }
0xc: {  	s11 =	smov.u32 s4;
	[sflag:s6] =	ssyncpa.u1 $0x0;
	s7 =	sadd.s32 s9, s7  }
0xd: {  	vm0 =	vmmov $0xffff;
	[sflag:s10] =	ssyncpa.u1 $0x0;
	s10 =	simm.s32 $0x0;
	s9 =	sadd.s32 $0x1, s7  }
.LBB2_4:
0xe: {  	vm1 =	veq.s32 v0, $0x80000000;
	v3 =	vand.u32 $0x1, v0;
	v62 =	vshll.u32 v0, $0xE  }
0xf: {  	v2 =	vand.u32 $0x3FFF, v2;
	v3 =	vsel vm1, $0xFFFFFFFF, v3;
	v0 =	vand.u32 $0x7F8000, v62  }
0x10: {  	v0 =	vsel vm1, $0xFFFF8000, v0;
	v4 =	vand.u32 $0xFFFF8000, v3;
	v3 =	vshll.u32 v3, $0x7  }
0x11: {  	v2 =	vsel vm1, $0xFFFFFFFF, v2;
	v0 =	vadd.s32 v4, v0;
	v3 =	vand.u32 $0x80, v3  }
0x12: {  	v63 =	vand.u32 $0x7F, v2;
	v2 =	vshll.u32 v2, $0x1;
	v0 =	vor.u32 v3, v0  }
0x13: {  	v2 =	vand.u32 $0xFFFFFF00, v2;
	v0 =	vor.u32 v63, v0  }
0x14: {  	v0 =	vadd.s32 v2, v0;
	_ =	sdelay $0x1  }
0x15: {  	(ifvalue) =	ssetifvalue $0x7FFFFFFF;
	s15 =	sadd.s32 $0x10, s15  }
0x16: {  	[tilespmem:s15], [sflag:$0x1] =	stream.indirect_vreg.gather [hbm4b:s8+s10], $0x1, v1, vm0, $0x4038;
	[tilespmem:$0xC800] =	vst v63  }
0x17: {  	(ifvalue) =	ssetifvalue $0x7FFFFFFF;
	s15 =	sadd.s32 $0x10, s15  }
0x18: {  	[tilespmem:s15], [sflag:$0x1] =	stream.indirect_vreg.gather [hbm4b:s8+s10], $0x1, v0, vm0, $0x4038;
	[tilespmem:$0xC800] =	vst v63  }
0x19: {  	_ =	swait.ge [sflag:s5], $0x3200  }
0x1a: {  	s30 =	sshrl.u32 s13, $0x3;
	[sflag:s5] =	ssyncset.done $0x0  }
0x1b: {  	s31 =	sand.u32 $0x7, s13;
	s15 =	sadd.s32 s3, s30;
	[sflag:s5] =	ssyncadd.s32 $0xFFFFCE00  }
0x1c: {  	[hbm4b:s15+s31] =	stream.linear.scatter [tilespmem:s14], [sflag:$0x3], $0x3200, $0x38;
	[tilespmem:$0xC800] =	vst v63  }
.LBB2_5:
0x1d: {  	s15 =	sadd.s32 $0x64000, s11  }
0x1e: {  	p1 =	sgt.s32 s15, $0x7CFFF  }
0x1f: {  	s15 =	smov.u32 @p1 s4;
	p1 =	sne.s32 s12, s9  }
.Ltmp1:
0x20: {  	p0 =	slt.u32 s12, $0x2;
	(pc) =	sbr.rel @!p1 .LBB2_6-.Ltmp1, $4  }
0x21: {  	s14 =	simm.s32 @!p0 $0x3  }
0x22: {  	_ =	swait.ge @!p0 [sflag:s14], $0x3200  }
0x23: {  	s16 =	sadd.s32 $0x1, s12;
	s13 =	smov.u32 s11;
	[sflag:s14] =	ssyncset.done @!p0 $0x0  }
0x24: {  	s12 =	smov.u32 s16;
	s11 =	smov.u32 s15;
	[sflag:s14] =	ssyncadd.s32 @!p0 $0xFFFFCE00  }
.LBB2_1:
0x25: {  	p0 =	sge.u32 s12, s7  }
0x26: {  	s14 =	sxor.u32 @!p0 $0x1, s12  }
0x27: {  	s14 =	smul.u32 @!p0 $0xC800, s14  }
0x28: {  	s31 =	sadd.s32 $0xFFFFFFFF, s12;
	s15 =	sshrl.u32 @!p0 s11, $0x3  }
0x29: {  	s16 =	sand.u32 @!p0 $0x7, s11;
	s15 =	sadd.s32 @!p0 s2, s15;
	s14 =	sshra.s32 @!p0 s14, $0x2  }
0x2a: {  	[tilespmem:s14], [sflag:$0x2] =	stream.linear.gather @!p0 [hbm4b:s15+s16], $0x3200, $0x38;
	[tilespmem:$0xC800] =	vst v63  }
0x2b: {  	p0 =	sge.u32 s31, s7  }
.Ltmp2:
0x2c: {  	_ = 	snop;
	(pc) =	sbr.rel @p0 .LBB2_5-.Ltmp2, $1  }
0x2d: {  	_ =	sdelay $0x3  }
0x2e: {  	s14 =	sand.u32 $0x1, s12  }
0x2f: {  	_ =	swait.ge [sflag:s6], $0x3200;
	p0 =	seq.s32 s14, $0x1;
	s14 =	simm.s32 $0x3200  }
0x30: {  	[sflag:s6] =	ssyncset.done $0x0;
	s14 =	simm.s32 @!p0 $0x0  }
0x31: {  	[sflag:s6] =	ssyncadd.s32 $0xFFFFCE00;
	(ifvalue) =	ssetifvalue $0x7FFFFFFF;
	v0 =	vld.msk [tilespmem:s14+$0x0 ss:$0x1], $0xffff;
	_ =	sdelay $0x1  }
0x32: {  	s15 =	sadd.s32 $0x10, s14  }
0x33: {  	v3 =	vld.msk [tilespmem:s15+$0x0 ss:$0x1], $0xffff;
	_ =	sdelay $0x1  }
0x34: {  	v1 =	vshrl.u32 v0, $0x9  }
0x35: {  	vm1 =	veq.s32 v0, $0x80000000;
	v2 =	vand.u32 $0x1, v0;
	v0 =	vshll.u32 v0, $0xE  }
0x36: {  	v2 =	vsel vm1, $0xFFFFFFFF, v2;
	v0 =	vand.u32 $0x7F8000, v0  }
0x37: {  	v1 =	vand.u32 $0x3FFF, v1;
	v62 =	vand.u32 $0x1, v3;
	v0 =	vsel vm1, $0xFFFF8000, v0  }
0x38: {  	v4 =	vand.u32 $0xFFFF8000, v2;
	v2 =	vshll.u32 v2, $0x7;
	v1 =	vsel vm1, $0xFFFFFFFF, v1  }
0x39: {  	vm1 =	veq.s32 v3, $0x80000000;
	v0 =	vadd.s32 v4, v0;
	v2 =	vand.u32 $0x80, v2  }
0x3a: {  	v61 =	vand.u32 $0x7F, v1;
	v1 =	vshll.u32 v1, $0x1;
	v0 =	vor.u32 v2, v0  }
0x3b: {  	v4 =	vsel vm1, $0xFFFFFFFF, v62;
	v1 =	vand.u32 $0xFFFFFF00, v1;
	v0 =	vor.u32 v61, v0  }
0x3c: {  	s15 =	sadd.s32 $0x10, s15;
	v2 =	vshrl.u32 v3, $0x9;
	v3 =	vshll.u32 v3, $0xE;
	v1 =	vadd.s32 v1, v0  }
0x3d: {  	v5 =	vand.u32 $0xFFFF8000, v4;
	v3 =	vand.u32 $0x7F8000, v3;
	v0 =	vld.msk [tilespmem:s15+$0x0 ss:$0x1], $0xffff  }
0x3e: {  	v4 =	vshll.u32 v4, $0x7;
	v2 =	vand.u32 $0x3FFF, v2;
	v3 =	vsel vm1, $0xFFFF8000, v3  }
0x3f: {  	v4 =	vand.u32 $0x80, v4;
	v2 =	vsel vm1, $0xFFFFFFFF, v2;
	v3 =	vadd.s32 v5, v3  }
0x40: {  	s14 =	sadd.s32 $0x6400, s14;
	(ifvalue) =	ssetifvalue $0x7FFFFFFF;
	v63 =	vand.u32 $0x7F, v2;
	v2 =	vshll.u32 v2, $0x1;
	v3 =	vor.u32 v4, v3  }
0x41: {  	v3 =	vor.u32 v63, v3;
	[tilespmem:s14], [sflag:$0x1] =	stream.indirect_vreg.gather [hbm4b:s8+s10], $0x1, v1, vm0, $0x4038;
	v1 =	vand.u32 $0xFFFFFF00, v2;
	[tilespmem:$0xC800] =	vst v63  }
0x42: {  	s16 =	simm.s32 $0x20;
	s17 =	sadd.s32 $0x10, s15;
	s15 =	smov.u32 s14;
	v2 =	vshrl.u32 v0, $0x9;
	v1 =	vadd.s32 v1, v3  }
.LBB2_3:
0x43: {  	vm1 =	veq.s32 v0, $0x80000000;
	v3 =	vand.u32 $0x1, v0;
	v4 =	vshll.u32 v0, $0xE;
	v0 =	vld.msk [tilespmem:s17+$0x0 ss:$0x1], $0xffff;
	s16 =	sadd.s32 $0x10, s16  }
0x44: {  	v2 =	vand.u32 $0x3FFF, v2;
	v3 =	vsel vm1, $0xFFFFFFFF, v3;
	v4 =	vand.u32 $0x7F8000, v4;
	p0 =	slt.u32 s16, $0x31F0  }
.Ltmp3:
0x45: {  	v4 =	vsel vm1, $0xFFFF8000, v4;
	v5 =	vand.u32 $0xFFFF8000, v3;
	v3 =	vshll.u32 v3, $0x7;
	(pc) =	sbr.rel @p0 .LBB2_3-.Ltmp3, $4  }
0x46: {  	s15 =	sadd.s32 $0x10, s15;
	v2 =	vsel vm1, $0xFFFFFFFF, v2;
	v4 =	vadd.s32 v5, v4;
	v3 =	vand.u32 $0x80, v3;
	(ifvalue) =	ssetifvalue $0x7FFFFFFF  }
0x47: {  	v5 =	vand.u32 $0x7F, v2;
	v2 =	vshll.u32 v2, $0x1;
	v3 =	vor.u32 v3, v4;
	[tilespmem:s15], [sflag:$0x1] =	stream.indirect_vreg.gather [hbm4b:s8+s10], $0x1, v1, vm0, $0x4038;
	[tilespmem:$0xC800] =	vst v63  }
0x48: {  	v1 =	vand.u32 $0xFFFFFF00, v2;
	v3 =	vor.u32 v5, v3  }
0x49: {  	s17 =	sadd.s32 $0x10, s17;
	v2 =	vshrl.u32 v0, $0x9;
	v1 =	vadd.s32 v1, v3  }
.Ltmp4:
0x4a: {  	_ = 	snop;
	(pc) =	sbr.rel .LBB2_4-.Ltmp4, $1  }
0x4b: {  	_ =	sdelay $0x3  }
.LBB2_6:
0x4c: {  	_ =	sfence.sel $0x180000  }
0x4d: {  	s2 =	simm.s32 $0x2;
	[bflag:$0x0] =	sbarrier.arrive $0xFFFF  }
0x4e: {  	s30 =	simm.s32 $0x3;
	[sflag:s2] =	ssyncpa.u1 $0x1  }
0x4f: {  	s31 =	simm.s32 $0x1;
	[sflag:s30] =	ssyncpa.u1 $0x1  }
0x50: {  	[sflag:s31] =	ssyncpa.u1 $0x1  }
0x51: {  	p0 =	sne.s32 s0, $0x0;
	_ =	strace $0x9000004D  }
0x52: {  	s0 =	sadd.s32 @!p0 $0x100000, s1;
	[bflag:$0x2] =	sbarrier.arrive $0xFFFF  }
0x53: {  	[sflag:s0] =	ssyncadd.tile.s32 @!p0 $0x1;
	_ =	shalt  }
.Lfunc_end2:
_tile_overlayer_lowered:
.L_overlay_start_2:
0x54: {  	(tag) =	ssettag $0x2  }
0x55: {  	s0 =	rddreg [dreg:$0x0];
	s2 =	stileid.u32  }
0x56: {  	s1 =	rddreg [dreg:$0x1];
	p0 =	sne.s32 s2, $0x0  }
0x57: {  	s3 =	rddreg [dreg:$0x2];
	[bflag:$0x3] =	sbarrier.arrive $0xFFFF;
	s2 =	simm.s32 @!p0 $0x1C01  }
0x58: {  	[timem:s3], [sflag:s2] =	dma.local @!p0 [hbm:s0], s1  }
0x59: {  	s0 =	simm.s32 @!p0 $0x1  }
0x5a: {  	_ =	swait.ge @!p0 [sflag:s0], s1  }
0x5b: {  	s1 =	ssub.s32 @!p0 $0x0, s1;
	[sflag:s0] =	ssyncset.done @!p0 $0x0  }
0x5c: {  	[sflag:s0] =	ssyncadd.s32 @!p0 s1  }
0x5d: {  	[bflag:$0x3] =	sbarrier.arrive $0xFFFF  }
0x5e: {  	_ =	shalt  }

// kernel: sparse-core-data-format-call.1.cloned.1.call-start
scs
called_computation.1_lowered:
.L_overlay_start_0:
0x0: {  	s2 =	sld [smem:$0x3FD9]  }
0x1: {  	s3 =	sld [smem:$0x3FFE];
	_ =	sdelay $0x1  }
0x2: {  	s1 =	srdreg.scid  }
0x3: {  	s0 =	sand.u32 $0x1, s1  }
0x4: {  	s18 =	sshll.u32 s0, $0xA;
	s2 =	sadd.s32 s3, s2  }
0x5: {  	s2 =	sadd.s32 s2, s18  }
0x6: {  	[smem:$0x3FA7] =	sst s2  }
0x7: {  	_ = 	snop  }
0x8: {  	s2 =	sld [smem:$0x3FC8];
	(tm) =	ssettm $0x1  }
0x9: {  	s19 =	sld [smem:$0x3FFB];
	_ =	sdelay $0x3  }
0xa: {  	_ =	strace s19  }
0xb: {  	s3 =	sld [smem:$0x3FFC];
	_ =	sdelay $0x3  }
0xc: {  	_ =	strace s3  }
0xd: {  	s3 =	sld [smem:$0x3FFD];
	_ =	sdelay $0x3  }
0xe: {  	_ =	strace s3  }
0xf: {  	_ =	strace $0x8FFFFFFF  }
0x10: {  	s20 =	sld [smem:$0x3FDB];
	_ =	sdelay $0x1  }
0x11: {  	s4 =	simm.s32 $_scs_section_size  }
0x12: {  	s5 =	simm.s32 $_size__tile_overlayer_lowered;
	s6 =	simm.s32 $_tile_overlayer_lowered  }
0x13: {  	s23 =	simm.s32 $0x1BFF;
	s22 =	sshll.u32 s6, $0x1;
	s3 =	sadd.s32 s4, s20  }
0x14: {  	s7 =	simm.s32 $0x0;
	s21 =	sshll.u32 s5, $0x1;
	s5 =	sadd.s32 s22, s3  }
0x15: {  	[timem:s7], [sflag:s23] =	dma.local [hbm:s5], s21  }
0x16: {  	_ =	swait.ge [sflag:s23], s21  }
0x17: {  	s4 =	ssub.s32 $0x0, s21;
	[sflag:s23] =	ssyncset.done $0x0  }
0x18: {  	[sflag:s23] =	ssyncadd.s32 s4;
	_ =	sdelay $0x1  }
0x19: {  	s24 =	simm.s32 $0x1B8B  }
0x1a: {  	_ =	swait.ge [sflag:s24], $0x1  }
0x1b: {  	[sflag:s24] =	ssyncset.done $0x0  }
0x1c: {  	s26 =	simm.s32 $0x1B8E;
	s25 =	sld [smem:$0x3FFE];
	[sflag:s24] =	ssyncadd.s32 $0xFFFFFFFF  }
0x1d: {  	s27 =	simm.s32 $execute0_lowered;
	[smem:$0x3FD2] =	sst s26  }
0x1e: {  	s5 =	sshll.u32 s27, $0x1;
	_ =	strace $0x80000046;
	[dreg:$0x1] =	wrdreg $0xFFFFFFFF  }
0x1f: {  	s28 =	simm.s32 $_size_execute0_lowered;
	s3 =	sadd.s32 s3, s5;
	[dreg:$0x0] =	wrdreg $0x0  }
0x20: {  	s5 =	sshll.u32 s28, $0x1;
	[dreg:$0x2] =	wrdreg s3  }
0x21: {  	[dreg:$0x3] =	wrdreg s5  }
0x22: {  	[dreg:$0x4] =	wrdreg $0xC0  }
0x23: {  	_ =	task [dreg:s7], $0x5FFFF  }
0x24: {  	[dreg:$0x1] =	wrdreg $0xFFFFFFFF  }
0x25: {  	[dreg:$0x0] =	wrdreg $0x60  }
0x26: {  	[dreg:$0x2] =	wrdreg s2  }
0x27: {  	[dreg:$0x3] =	wrdreg s25  }
0x28: {  	[dreg:$0x4] =	wrdreg $0x9  }
0x29: {  	_ =	task.clear_ibuf [dreg:s7], $0x5FFFF;
	_ =	strace $0x90000046  }
0x2a: {  	s29 =	simm.s32 $0x9;
	_ =	strace $0x80000048  }
0x2b: {  	_ =	swait.ge [sflag:s29], $0x1  }
0x2c: {  	[sflag:s29] =	ssyncadd.s32 $0xFFFFFFFF  }
0x2d: {  	_ =	strace $0x90000048  }
0x2e: {  	_ =	sfence  }
0x2f: {  	s30 =	sld [smem:$0x0];
	_ =	sdelay $0x2  }
0x30: {  	s31 =	sshll.u32 s1, $0xD;
	s1 =	sshrl.u32 s1, $0x2  }
0x31: {  	s3 =	sand.u32 $0x4000, s31;
	s1 =	sadd.s32 s1, s30  }
0x32: {  	s0 =	sor.u32 s3, s0;
	s1 =	sshll.u32 s1, $0x11  }
0x33: {  	s0 =	sor.u32 s1, s0  }
0x34: {  	s0 =	sadd.s32 $0x8F2B, s0  }
0x35: {  	[sflag:s0] =	ssyncadd.remote.s32 $0x1  }
0x36: {  	_ =	sfence.sel $0xFFFF  }
0x37: {  	[dreg:$0x0] =	wrdreg $0xFFFFFFFF;
	(pc) =	sbr.abs _section_cstart, $3  }
0x38: {  	[dreg:$0x1] =	wrdreg $0xFFFFFFFF  }
0x39: {  	_ =	task.clear_ibuf [dreg:s7], $0x2FFFF;
	_ =	strace $0x9FFFFFFF  }
0x3a: {  	(tm) =	ssettm $0x7FFFFFFF  }
0x3b: {  	_ =	shalt  }
tec
execute0_lowered:
.L_overlay_start_1:
0x0: {  	(tag) =	ssettag $0x1  }
0x1: {  	s0 =	srdreg.scid;
	s2 =	rddreg [dreg:$0x0]  }
0x2: {  	s4 =	rddreg [dreg:$0x1];
	s7 =	simm.s32 $0x1;
	s1 =	sshll.u32 s0, $0x4  }
0x3: {  	s8 =	simm.s32 $0x2;
	s0 =	stileid.u32;
	s1 =	sand.u32 $0x10, s1  }
0x4: {  	s13 =	simm.s32 $0x0;
	s12 =	simm.s32 $0x0;
	s1 =	sor.u32 s0, s1  }
0x5: {  	s9 =	simm.s32 $0x0;
	s11 =	simm.s32 $0x0;
	s3 =	sshll.u32 s1, $0x7  }
0x6: {  	s4 =	sadd.s32 $0x5E00, s4;
	s1 =	rddreg [dreg:$0x2];
	s6 =	ssub.s32 $0x8000, s3  }
.Ltmp0:
0x7: {  	_ =	strace $0x80000047;
	s5 =	sand.u32 $0xF80, s6;
	(pc) =	sbr.rel .LBB1_1-.Ltmp0, $4  }
0x8: {  	s10 =	smov.u32 s3;
	p0 =	sne.s32 s5, $0x0;
	s5 =	simm.s32 $0x1  }
0x9: {  	s6 =	sshrl.u32 s6, $0xC;
	s7 =	simm.s32 @!p0 $0x0;
	[sflag:s5] =	ssyncpa.u1 $0x0  }
0xa: {  	p0 =	por $0x0, $0x0;
	s7 =	sadd.s32 s7, s6;
	[sflag:s8] =	ssyncpa.u1 $0x0  }
0xb: {  	s8 =	simm.s32 $0x40000;
	s6 =	sshll.u32 s7, $0x1;
	s7 =	sshllo.u32 s7, $0x1  }
.LBB1_4:
0xc: {  	v5 =	vld [tilespmem:s16+$0xFFFFFFD0]  }
0xd: {  	[tilespmem:s17+$0x2040 ss:$0x81] =	vst.msk $0xffff, v1;
	v58 =	vld [tilespmem:s16+$0xFFFFFFE0]  }
0xe: {  	[tilespmem:s17+$0x2850 ss:$0x81] =	vst.msk $0xffff, v2;
	v59 =	vld [tilespmem:s16+$0xFFFFFFF0]  }
0xf: {  	s18 =	sshra.s32 s18, $0x2;
	[tilespmem:s17+$0x3060 ss:$0x81] =	vst.msk $0xffff, v3;
	v60 =	vld [tilespmem:s16+$0x0]  }
0x10: {  	[tilespmem:s17+$0x0 ss:$0x81] =	vst.msk $0xffff, v0;
	v61 =	vld [tilespmem:s16+$0x10];
	s15 =	sadd.s32 s18, s15  }
0x11: {  	s26 =	sshll.u32 s13, $0xF;
	v62 =	vld [tilespmem:s16+$0x20];
	[tilespmem:s15+$0x3870 ss:$0x81] =	vst.msk $0xffff, v4  }
0x12: {  	s27 =	sand.u32 $0x78, s12;
	s19 =	sshll.u32 s12, $0x3;
	v63 =	vld [tilespmem:s16+$0xFFFFFFC0];
	s29 =	sshll.u32 s13, $0x7;
	[tilespmem:s15+$0x810 ss:$0x81] =	vst.msk $0xffff, v5  }
0x13: {  	s17 =	sand.u32 $0x7C0000, s26;
	s28 =	sand.u32 $0x7FFC00, s19;
	s19 =	sand.u32 $0x7C00, s19;
	[tilespmem:s15+$0x1020 ss:$0x81] =	vst.msk $0xffff, v58  }
0x14: {  	s13 =	sand.u32 $0x380, s29;
	s16 =	sadd.s32 s28, s17;
	s30 =	sor.u32 s27, s19;
	[tilespmem:s15+$0x1830 ss:$0x81] =	vst.msk $0xffff, v59  }
0x15: {  	s16 =	sand.u32 $0x7F8000, s16;
	s13 =	sor.u32 s13, s30;
	[tilespmem:s15+$0x2040 ss:$0x81] =	vst.msk $0xffff, v60  }
0x16: {  	s31 =	sand.u32 $0x7, s12;
	s13 =	sor.u32 s16, s13;
	[tilespmem:s15+$0x2850 ss:$0x81] =	vst.msk $0xffff, v61  }
0x17: {  	s12 =	sshll.u32 s31, $0x12;
	[tilespmem:s15+$0x3060 ss:$0x81] =	vst.msk $0xffff, v62;
	s13 =	sshrl.u32 s13, $0x3  }
0x18: {  	s12 =	sor.u32 $0x400, s12;
	[tilespmem:s15+$0x0 ss:$0x81] =	vst.msk $0xffff, v63;
	s13 =	sadd.s32 s4, s13  }
0x19: {  	[hbm4b:s13+s12] =	stream.strided.scatter [tilespmem:s14], [sflag:$0x2], $0x4000, s8, s12, $0x20;
	[tilespmem:$0x10100] =	vst v63  }
.LBB1_5:
0x1a: {  	s14 =	sadd.s32 $0x80, s9  }
0x1b: {  	s12 =	sadd.s32 $0x1000, s10;
	s16 =	smov.u32 s10;
	p2 =	sgt.s32 s14, $0xFF  }
0x1c: {  	s16 =	smov.u32 @p2 s12  }
0x1d: {  	s14 =	simm.s32 @p2 $0x0;
	p2 =	sgt.s32 s16, $0x7FFF  }
0x1e: {  	s16 =	smov.u32 @p2 s3;
	p2 =	sne.s32 s11, s7  }
.Ltmp1:
0x1f: {  	p1 =	slt.u32 s11, $0x2;
	(pc) =	sbr.rel @!p2 .LBB1_6-.Ltmp1, $4  }
0x20: {  	s15 =	simm.s32 @!p1 $0x2  }
0x21: {  	s13 =	smov.u32 s9;
	p0 =	por !p0, !p0;
	_ =	swait.ge @!p1 [sflag:s15], $0x4000  }
0x22: {  	s12 =	smov.u32 s10;
	[sflag:s15] =	ssyncset.done @!p1 $0x0;
	s9 =	smov.u32 s14  }
0x23: {  	s11 =	sadd.s32 $0x1, s11;
	[sflag:s15] =	ssyncadd.s32 @!p1 $0xFFFFC000;
	s10 =	smov.u32 s16  }
.LBB1_1:
0x24: {  	p1 =	sge.u32 s11, s6  }
0x25: {  	s31 =	sadd.s32 $0xFFFFFFFF, s11;
	s14 =	sshll.u32 @!p1 s10, $0x8  }
0x26: {  	s15 =	sshll.u32 @!p1 s9, $0x3;
	s16 =	sshll.u32 @!p1 s10, $0x7;
	s14 =	sand.u32 @!p1 $0x7FF800, s14  }
0x27: {  	s17 =	sand.u32 @!p1 $0x78, s9;
	s14 =	sadd.s32 @!p1 s14, s15;
	s15 =	sand.u32 @!p1 $0x380, s16  }
0x28: {  	s16 =	sxor.u32 @!p1 $0xFFFFFFFF, s11;
	s14 =	sand.u32 @!p1 $0x7FFC00, s14;
	s15 =	sor.u32 @!p1 s15, s17  }
0x29: {  	s16 =	sshll.u32 @!p1 s16, $0xE;
	s14 =	sor.u32 @!p1 s14, s15;
	s15 =	sand.u32 @!p1 $0x7, s9  }
0x2a: {  	s17 =	simm.s32 @!p1 $0x800;
	s14 =	sshrl.u32 @!p1 s14, $0x3;
	s15 =	sshll.u32 @!p1 s15, $0x12  }
0x2b: {  	s16 =	sand.u32 @!p1 $0x4000, s16;
	s14 =	sadd.s32 @!p1 s2, s14;
	s15 =	sor.u32 @!p1 $0x400, s15  }
0x2c: {  	[tilespmem:s16], [sflag:$0x1] =	stream.strided.gather @!p1 [hbm4b:s14+s15], $0x4000, s17, s15, $0x38;
	[tilespmem:$0x10100] =	vst v63  }
0x2d: {  	p1 =	sge.u32 s31, s6  }
.Ltmp2:
0x2e: {  	_ = 	snop;
	(pc) =	sbr.rel @p1 .LBB1_5-.Ltmp2, $1  }
0x2f: {  	_ =	sdelay $0x3  }
0x30: {  	s14 =	simm.s32 $0x1  }
0x31: {  	_ =	swait.ge [sflag:s5], $0x4000;
	s14 =	simm.s32 @!p0 $0x0  }
0x32: {  	[sflag:s5] =	ssyncset.done $0x0;
	s15 =	sshll.u32 s14, $0xE  }
0x33: {  	[sflag:s5] =	ssyncadd.s32 $0xFFFFC000;
	s16 =	sor.u32 $0x40, s15  }
0x34: {  	s14 =	smul.u32 $0x10200, s14;
	v0 =	vld [tilespmem:s16+$0x30]  }
0x35: {  	v3 =	vld [tilespmem:s16+$0xFFFFFFD0]  }
0x36: {  	s14 =	sshrl.u32 s14, $0x2;
	v4 =	vld [tilespmem:s16+$0xFFFFFFE0]  }
0x37: {  	v5 =	vld [tilespmem:s16+$0xFFFFFFF0];
	s15 =	sor.u32 $0x8000, s14  }
0x38: {  	s31 =	sand.u32 $0x1, s11;
	v1 =	vld [tilespmem:s16+$0x0];
	s17 =	sadd.s32 $0x0, s15  }
0x39: {  	v2 =	vld [tilespmem:s16+$0x10];
	s14 =	smul.u32 $0x10200, s31;
	[tilespmem:s17+$0x3870 ss:$0x81] =	vst.msk $0xffff, v0  }
0x3a: {  	[tilespmem:s17+$0x810 ss:$0x81] =	vst.msk $0xffff, v3;
	v3 =	vld [tilespmem:s16+$0x20]  }
0x3b: {  	s14 =	sshrl.u32 s14, $0x2;
	v0 =	vld [tilespmem:s16+$0xFFFFFFC0];
	[tilespmem:s17+$0x1020 ss:$0x81] =	vst.msk $0xffff, v4;
	s16 =	sadd.s32 $0x80, s16  }
0x3c: {  	s18 =	simm.s32 $0x4;
	s19 =	simm.s32 $0x8;
	s14 =	sor.u32 $0x8000, s14;
	[tilespmem:s17+$0x1830 ss:$0x81] =	vst.msk $0xffff, v5;
	v4 =	vld [tilespmem:s16+$0x30]  }
.LBB1_3:
0x3d: {  	p1 =	sne.s32 s19, $0x1FC;
	v5 =	vld [tilespmem:s16+$0xFFFFFFD0];
	[tilespmem:s17+$0x2040 ss:$0x81] =	vst.msk $0xffff, v1  }
0x3e: {  	v6 =	vld [tilespmem:s16+$0xFFFFFFE0];
	[tilespmem:s17+$0x2850 ss:$0x81] =	vst.msk $0xffff, v2  }
0x3f: {  	s20 =	sshra.s32 s18, $0x2;
	s18 =	smov.u32 s19;
	v7 =	vld [tilespmem:s16+$0xFFFFFFF0];
	[tilespmem:s17+$0x3060 ss:$0x81] =	vst.msk $0xffff, v3  }
.Ltmp3:
0x40: {  	v1 =	vld [tilespmem:s16+$0x0];
	[tilespmem:s17+$0x0 ss:$0x81] =	vst.msk $0xffff, v0;
	s17 =	sadd.s32 s20, s15;
	(pc) =	sbr.rel @p1 .LBB1_3-.Ltmp3, $4  }
0x41: {  	v2 =	vld [tilespmem:s16+$0x10];
	[tilespmem:s17+$0x3870 ss:$0x81] =	vst.msk $0xffff, v4  }
0x42: {  	[tilespmem:s17+$0x810 ss:$0x81] =	vst.msk $0xffff, v5;
	v3 =	vld [tilespmem:s16+$0x20]  }
0x43: {  	v0 =	vld [tilespmem:s16+$0xFFFFFFC0];
	[tilespmem:s17+$0x1020 ss:$0x81] =	vst.msk $0xffff, v6;
	s16 =	sadd.s32 $0x80, s16  }
0x44: {  	s19 =	sadd.s32 $0x4, s19;
	v4 =	vld [tilespmem:s16+$0x30];
	[tilespmem:s17+$0x1830 ss:$0x81] =	vst.msk $0xffff, v7  }
.Ltmp4:
0x45: {  	_ = 	snop;
	(pc) =	sbr.rel .LBB1_4-.Ltmp4, $1  }
0x46: {  	_ =	sdelay $0x3  }
.LBB1_6:
0x47: {  	_ =	sfence.sel $0x180000  }
0x48: {  	s2 =	simm.s32 $0x1;
	[bflag:$0x0] =	sbarrier.arrive $0xFFFF  }
0x49: {  	s31 =	simm.s32 $0x2;
	[sflag:s2] =	ssyncpa.u1 $0x1  }
0x4a: {  	[sflag:s31] =	ssyncpa.u1 $0x1  }
0x4b: {  	p0 =	sne.s32 s0, $0x0;
	_ =	strace $0x90000047  }
0x4c: {  	s0 =	sadd.s32 @!p0 $0x100000, s1;
	[bflag:$0x2] =	sbarrier.arrive $0xFFFF  }
0x4d: {  	[sflag:s0] =	ssyncadd.tile.s32 @!p0 $0x1;
	_ =	shalt  }
.Lfunc_end1:
_tile_overlayer_lowered:
.L_overlay_start_2:
0x4e: {  	(tag) =	ssettag $0x2  }
0x4f: {  	s0 =	rddreg [dreg:$0x0];
	s2 =	stileid.u32  }
0x50: {  	s1 =	rddreg [dreg:$0x1];
	p0 =	sne.s32 s2, $0x0  }
0x51: {  	s3 =	rddreg [dreg:$0x2];
	[bflag:$0x3] =	sbarrier.arrive $0xFFFF;
	s2 =	simm.s32 @!p0 $0x1C01  }
0x52: {  	[timem:s3], [sflag:s2] =	dma.local @!p0 [hbm:s0], s1  }
0x53: {  	s0 =	simm.s32 @!p0 $0x1  }
0x54: {  	_ =	swait.ge @!p0 [sflag:s0], s1  }
0x55: {  	s1 =	ssub.s32 @!p0 $0x0, s1;
	[sflag:s0] =	ssyncset.done @!p0 $0x0  }
0x56: {  	[sflag:s0] =	ssyncadd.s32 @!p0 s1  }
0x57: {  	[bflag:$0x3] =	sbarrier.arrive $0xFFFF  }
0x58: {  	_ =	shalt  }

// kernel: sparse-core-data-format-call.2.cloned.1.call-start
scs
called_computation.2_lowered:
.L_overlay_start_0:
0x0: {  	s2 =	sld [smem:$0x3FD9]  }
0x1: {  	s3 =	sld [smem:$0x3FFE];
	_ =	sdelay $0x1  }
0x2: {  	s1 =	srdreg.scid  }
0x3: {  	s0 =	sand.u32 $0x1, s1  }
0x4: {  	s18 =	sshll.u32 s0, $0xA;
	s2 =	sadd.s32 s3, s2  }
0x5: {  	s2 =	sadd.s32 s2, s18  }
0x6: {  	[smem:$0x3FA7] =	sst s2  }
0x7: {  	_ = 	snop  }
0x8: {  	s19 =	sld [smem:$0x3FC9];
	(tm) =	ssettm $0x1  }
0x9: {  	s20 =	sld [smem:$0x3FFB];
	_ =	sdelay $0x3  }
0xa: {  	_ =	strace s20  }
0xb: {  	s2 =	sld [smem:$0x3FFC];
	_ =	sdelay $0x3  }
0xc: {  	_ =	strace s2  }
0xd: {  	s2 =	sld [smem:$0x3FFD];
	_ =	sdelay $0x3  }
0xe: {  	_ =	strace s2  }
0xf: {  	_ =	strace $0x8FFFFFFF  }
0x10: {  	s21 =	sld [smem:$0x3FDB];
	_ =	sdelay $0x1  }
0x11: {  	s4 =	simm.s32 $_scs_section_size  }
0x12: {  	s5 =	simm.s32 $_size__tile_overlayer_lowered;
	s6 =	simm.s32 $_tile_overlayer_lowered  }
0x13: {  	s7 =	simm.s32 $0x1BFF;
	s22 =	sshll.u32 s6, $0x1;
	s4 =	sadd.s32 s4, s21  }
0x14: {  	s23 =	simm.s32 $0x0;
	s5 =	sshll.u32 s5, $0x1;
	s6 =	sadd.s32 s22, s4  }
0x15: {  	[timem:s23], [sflag:s7] =	dma.local [hbm:s6], s5  }
0x16: {  	_ =	swait.ge [sflag:s7], s5  }
0x17: {  	s5 =	ssub.s32 $0x0, s5;
	[sflag:s7] =	ssyncset.done $0x0  }
0x18: {  	[sflag:s7] =	ssyncadd.s32 s5;
	_ =	sdelay $0x1  }
0x19: {  	s24 =	simm.s32 $0x1B8B  }
0x1a: {  	_ =	swait.ge [sflag:s24], $0x1  }
0x1b: {  	[sflag:s24] =	ssyncset.done $0x0  }
0x1c: {  	[sflag:s24] =	ssyncadd.s32 $0xFFFFFFFF  }
0x1d: {  	s5 =	sld [smem:$0x0]  }
0x1e: {  	s6 =	sand.u32 $0xFFFFFFFE, s1  }
0x1f: {  	p0 =	sne.s32 s1, s6  }
0x20: {  	s6 =	sshll.u32 @p0 s6, $0xE  }
0x21: {  	s6 =	sadd.s32 @p0 $0x11B8D, s6;
	s7 =	sshll.u32 @p0 s5, $0x11  }
0x22: {  	s6 =	sor.u32 @p0 s7, s6  }
0x23: {  	[sflag:s6] =	ssyncadd.remote.s32 @p0 $0x1;
	_ =	sdelay $0x1  }
0x24: {  	s6 =	simm.s32 @p0 $0x1B8D  }
0x25: {  	_ =	swait.eq @p0 [sflag:s6], $0x1  }
0x26: {  	[sflag:s6] =	ssyncadd.s32 @p0 $0xFFFFFFFF  }
0x27: {  	s7 =	sshll.u32 @!p0 s1, $0xE  }
0x28: {  	s7 =	sor.u32 @!p0 $0x4000, s7;
	s6 =	simm.s32 @!p0 $0x1B8D  }
0x29: {  	s5 =	sshll.u32 @!p0 s5, $0x11;
	s7 =	sadd.s32 @!p0 $0x11B8D, s7;
	_ =	swait.eq @!p0 [sflag:s6], $0x1  }
0x2a: {  	s5 =	sor.u32 @!p0 s5, s7;
	[sflag:s6] =	ssyncadd.s32 @!p0 $0xFFFFFFFF  }
0x2b: {  	s26 =	simm.s32 $0x1B8E;
	s25 =	sld [smem:$0x3FFE];
	[sflag:s5] =	ssyncadd.remote.s32 @!p0 $0x1  }
0x2c: {  	s27 =	simm.s32 $execute0_lowered;
	[smem:$0x3FD2] =	sst s26  }
0x2d: {  	s6 =	sshll.u32 s27, $0x1;
	_ =	strace $0x80000049;
	[dreg:$0x1] =	wrdreg $0xFFFFFFFF  }
0x2e: {  	s28 =	simm.s32 $_size_execute0_lowered;
	s4 =	sadd.s32 s4, s6;
	[dreg:$0x0] =	wrdreg $0x0  }
0x2f: {  	s6 =	sshll.u32 s28, $0x1;
	[dreg:$0x2] =	wrdreg s4  }
0x30: {  	[dreg:$0x3] =	wrdreg s6  }
0x31: {  	[dreg:$0x4] =	wrdreg $0xC0  }
0x32: {  	_ =	task [dreg:s23], $0x5FFFF  }
0x33: {  	[dreg:$0x1] =	wrdreg $0xFFFFFFFF  }
0x34: {  	[dreg:$0x0] =	wrdreg $0x60  }
0x35: {  	[dreg:$0x2] =	wrdreg s19  }
0x36: {  	[dreg:$0x3] =	wrdreg s25  }
0x37: {  	[dreg:$0x4] =	wrdreg $0xA  }
0x38: {  	_ =	task.clear_ibuf [dreg:s23], $0x5FFFF;
	_ =	strace $0x90000049  }
0x39: {  	s29 =	simm.s32 $0xA;
	_ =	strace $0x8000004B  }
0x3a: {  	_ =	swait.ge [sflag:s29], $0x1  }
0x3b: {  	[sflag:s29] =	ssyncadd.s32 $0xFFFFFFFF  }
0x3c: {  	_ =	strace $0x9000004B  }
0x3d: {  	_ =	sfence  }
0x3e: {  	s30 =	sld [smem:$0x0];
	_ =	sdelay $0x2  }
0x3f: {  	s31 =	sshll.u32 s1, $0xD;
	s1 =	sshrl.u32 s1, $0x2  }
0x40: {  	s4 =	sand.u32 $0x4000, s31;
	s1 =	sadd.s32 s1, s30  }
0x41: {  	s0 =	sor.u32 s4, s0;
	s1 =	sshll.u32 s1, $0x11  }
0x42: {  	s0 =	sor.u32 s1, s0  }
0x43: {  	s0 =	sadd.s32 $0x8F2B, s0  }
0x44: {  	[sflag:s0] =	ssyncadd.remote.s32 $0x1  }
0x45: {  	_ =	sfence.sel $0xFFFF  }
0x46: {  	[dreg:$0x0] =	wrdreg $0xFFFFFFFF;
	(pc) =	sbr.abs _section_cstart, $3  }
0x47: {  	[dreg:$0x1] =	wrdreg $0xFFFFFFFF  }
0x48: {  	_ =	task.clear_ibuf [dreg:s23], $0x2FFFF;
	_ =	strace $0x9FFFFFFF  }
0x49: {  	(tm) =	ssettm $0x7FFFFFFF  }
tec
execute0_lowered:
.L_overlay_start_1:
0x0: {  	(tag) =	ssettag $0x1  }
0x1: {  	s0 =	srdreg.scid;
	s2 =	rddreg [dreg:$0x0]  }
0x2: {  	s4 =	rddreg [dreg:$0x1];
	s7 =	simm.s32 $0x1;
	s1 =	sshll.u32 s0, $0x4  }
0x3: {  	s8 =	simm.s32 $0x2;
	s0 =	stileid.u32;
	s1 =	sand.u32 $0x10, s1  }
0x4: {  	s13 =	simm.s32 $0x0;
	s12 =	simm.s32 $0x0;
	s1 =	sor.u32 s0, s1  }
0x5: {  	s9 =	simm.s32 $0x0;
	s11 =	simm.s32 $0x0;
	s3 =	sshll.u32 s1, $0x7  }
0x6: {  	s4 =	sadd.s32 $0x105E00, s4;
	s1 =	rddreg [dreg:$0x2];
	s6 =	ssub.s32 $0x8000, s3  }
.Ltmp0:
0x7: {  	_ =	strace $0x8000004A;
	s5 =	sand.u32 $0xF80, s6;
	(pc) =	sbr.rel .LBB1_1-.Ltmp0, $4  }
0x8: {  	s10 =	smov.u32 s3;
	p0 =	sne.s32 s5, $0x0;
	s5 =	simm.s32 $0x1  }
0x9: {  	s6 =	sshrl.u32 s6, $0xC;
	s7 =	simm.s32 @!p0 $0x0;
	[sflag:s5] =	ssyncpa.u1 $0x0  }
0xa: {  	p0 =	por $0x0, $0x0;
	s7 =	sadd.s32 s7, s6;
	[sflag:s8] =	ssyncpa.u1 $0x0  }
0xb: {  	s8 =	simm.s32 $0x40000;
	s6 =	sshll.u32 s7, $0x1;
	s7 =	sshllo.u32 s7, $0x1  }
.LBB1_4:
0xc: {  	v5 =	vld [tilespmem:s16+$0xFFFFFFD0]  }
0xd: {  	[tilespmem:s17+$0x2040 ss:$0x81] =	vst.msk $0xffff, v1;
	v58 =	vld [tilespmem:s16+$0xFFFFFFE0]  }
0xe: {  	[tilespmem:s17+$0x2850 ss:$0x81] =	vst.msk $0xffff, v2;
	v59 =	vld [tilespmem:s16+$0xFFFFFFF0]  }
0xf: {  	s18 =	sshra.s32 s18, $0x2;
	[tilespmem:s17+$0x3060 ss:$0x81] =	vst.msk $0xffff, v3;
	v60 =	vld [tilespmem:s16+$0x0]  }
0x10: {  	[tilespmem:s17+$0x0 ss:$0x81] =	vst.msk $0xffff, v0;
	v61 =	vld [tilespmem:s16+$0x10];
	s15 =	sadd.s32 s18, s15  }
0x11: {  	s26 =	sshll.u32 s13, $0xF;
	v62 =	vld [tilespmem:s16+$0x20];
	[tilespmem:s15+$0x3870 ss:$0x81] =	vst.msk $0xffff, v4  }
0x12: {  	s27 =	sand.u32 $0x78, s12;
	s19 =	sshll.u32 s12, $0x3;
	v63 =	vld [tilespmem:s16+$0xFFFFFFC0];
	s29 =	sshll.u32 s13, $0x7;
	[tilespmem:s15+$0x810 ss:$0x81] =	vst.msk $0xffff, v5  }
0x13: {  	s17 =	sand.u32 $0x7C0000, s26;
	s28 =	sand.u32 $0x7FFC00, s19;
	s19 =	sand.u32 $0x7C00, s19;
	[tilespmem:s15+$0x1020 ss:$0x81] =	vst.msk $0xffff, v58  }
0x14: {  	s13 =	sand.u32 $0x380, s29;
	s16 =	sadd.s32 s28, s17;
	s30 =	sor.u32 s27, s19;
	[tilespmem:s15+$0x1830 ss:$0x81] =	vst.msk $0xffff, v59  }
0x15: {  	s16 =	sand.u32 $0x7F8000, s16;
	s13 =	sor.u32 s13, s30;
	[tilespmem:s15+$0x2040 ss:$0x81] =	vst.msk $0xffff, v60  }
0x16: {  	s31 =	sand.u32 $0x7, s12;
	s13 =	sor.u32 s16, s13;
	[tilespmem:s15+$0x2850 ss:$0x81] =	vst.msk $0xffff, v61  }
0x17: {  	s12 =	sshll.u32 s31, $0x12;
	[tilespmem:s15+$0x3060 ss:$0x81] =	vst.msk $0xffff, v62;
	s13 =	sshrl.u32 s13, $0x3  }
0x18: {  	s12 =	sor.u32 $0x400, s12;
	[tilespmem:s15+$0x0 ss:$0x81] =	vst.msk $0xffff, v63;
	s13 =	sadd.s32 s4, s13  }
0x19: {  	[hbm4b:s13+s12] =	stream.strided.scatter [tilespmem:s14], [sflag:$0x2], $0x4000, s8, s12, $0x20;
	[tilespmem:$0x10100] =	vst v63  }
.LBB1_5:
0x1a: {  	s14 =	sadd.s32 $0x80, s9  }
0x1b: {  	s12 =	sadd.s32 $0x1000, s10;
	s16 =	smov.u32 s10;
	p2 =	sgt.s32 s14, $0xFF  }
0x1c: {  	s16 =	smov.u32 @p2 s12  }
0x1d: {  	s14 =	simm.s32 @p2 $0x0;
	p2 =	sgt.s32 s16, $0x7FFF  }
0x1e: {  	s16 =	smov.u32 @p2 s3;
	p2 =	sne.s32 s11, s7  }
.Ltmp1:
0x1f: {  	p1 =	slt.u32 s11, $0x2;
	(pc) =	sbr.rel @!p2 .LBB1_6-.Ltmp1, $4  }
0x20: {  	s15 =	simm.s32 @!p1 $0x2  }
0x21: {  	s13 =	smov.u32 s9;
	p0 =	por !p0, !p0;
	_ =	swait.ge @!p1 [sflag:s15], $0x4000  }
0x22: {  	s12 =	smov.u32 s10;
	[sflag:s15] =	ssyncset.done @!p1 $0x0;
	s9 =	smov.u32 s14  }
0x23: {  	s11 =	sadd.s32 $0x1, s11;
	[sflag:s15] =	ssyncadd.s32 @!p1 $0xFFFFC000;
	s10 =	smov.u32 s16  }
.LBB1_1:
0x24: {  	p1 =	sge.u32 s11, s6  }
0x25: {  	s31 =	sadd.s32 $0xFFFFFFFF, s11;
	s14 =	sshll.u32 @!p1 s10, $0x8  }
0x26: {  	s15 =	sshll.u32 @!p1 s9, $0x3;
	s16 =	sshll.u32 @!p1 s10, $0x7;
	s14 =	sand.u32 @!p1 $0x7FF800, s14  }
0x27: {  	s17 =	sand.u32 @!p1 $0x78, s9;
	s14 =	sadd.s32 @!p1 s14, s15;
	s15 =	sand.u32 @!p1 $0x380, s16  }
0x28: {  	s16 =	sxor.u32 @!p1 $0xFFFFFFFF, s11;
	s14 =	sand.u32 @!p1 $0x7FFC00, s14;
	s15 =	sor.u32 @!p1 s15, s17  }
0x29: {  	s16 =	sshll.u32 @!p1 s16, $0xE;
	s14 =	sor.u32 @!p1 s14, s15;
	s15 =	sand.u32 @!p1 $0x7, s9  }
0x2a: {  	s17 =	simm.s32 @!p1 $0x800;
	s14 =	sshrl.u32 @!p1 s14, $0x3;
	s15 =	sshll.u32 @!p1 s15, $0x12  }
0x2b: {  	s16 =	sand.u32 @!p1 $0x4000, s16;
	s14 =	sadd.s32 @!p1 s2, s14;
	s15 =	sor.u32 @!p1 $0x400, s15  }
0x2c: {  	[tilespmem:s16], [sflag:$0x1] =	stream.strided.gather @!p1 [hbm4b:s14+s15], $0x4000, s17, s15, $0x38;
	[tilespmem:$0x10100] =	vst v63  }
0x2d: {  	p1 =	sge.u32 s31, s6  }
.Ltmp2:
0x2e: {  	_ = 	snop;
	(pc) =	sbr.rel @p1 .LBB1_5-.Ltmp2, $1  }
0x2f: {  	_ =	sdelay $0x3  }
0x30: {  	s14 =	simm.s32 $0x1  }
0x31: {  	_ =	swait.ge [sflag:s5], $0x4000;
	s14 =	simm.s32 @!p0 $0x0  }
0x32: {  	[sflag:s5] =	ssyncset.done $0x0;
	s15 =	sshll.u32 s14, $0xE  }
0x33: {  	[sflag:s5] =	ssyncadd.s32 $0xFFFFC000;
	s16 =	sor.u32 $0x40, s15  }
0x34: {  	s14 =	smul.u32 $0x10200, s14;
	v0 =	vld [tilespmem:s16+$0x30]  }
0x35: {  	v3 =	vld [tilespmem:s16+$0xFFFFFFD0]  }
0x36: {  	s14 =	sshrl.u32 s14, $0x2;
	v4 =	vld [tilespmem:s16+$0xFFFFFFE0]  }
0x37: {  	v5 =	vld [tilespmem:s16+$0xFFFFFFF0];
	s15 =	sor.u32 $0x8000, s14  }
0x38: {  	s31 =	sand.u32 $0x1, s11;
	v1 =	vld [tilespmem:s16+$0x0];
	s17 =	sadd.s32 $0x0, s15  }
0x39: {  	v2 =	vld [tilespmem:s16+$0x10];
	s14 =	smul.u32 $0x10200, s31;
	[tilespmem:s17+$0x3870 ss:$0x81] =	vst.msk $0xffff, v0  }
0x3a: {  	[tilespmem:s17+$0x810 ss:$0x81] =	vst.msk $0xffff, v3;
	v3 =	vld [tilespmem:s16+$0x20]  }
0x3b: {  	s14 =	sshrl.u32 s14, $0x2;
	v0 =	vld [tilespmem:s16+$0xFFFFFFC0];
	[tilespmem:s17+$0x1020 ss:$0x81] =	vst.msk $0xffff, v4;
	s16 =	sadd.s32 $0x80, s16  }
0x3c: {  	s18 =	simm.s32 $0x4;
	s19 =	simm.s32 $0x8;
	s14 =	sor.u32 $0x8000, s14;
	[tilespmem:s17+$0x1830 ss:$0x81] =	vst.msk $0xffff, v5;
	v4 =	vld [tilespmem:s16+$0x30]  }
.LBB1_3:
0x3d: {  	p1 =	sne.s32 s19, $0x1FC;
	v5 =	vld [tilespmem:s16+$0xFFFFFFD0];
	[tilespmem:s17+$0x2040 ss:$0x81] =	vst.msk $0xffff, v1  }
0x3e: {  	v6 =	vld [tilespmem:s16+$0xFFFFFFE0];
	[tilespmem:s17+$0x2850 ss:$0x81] =	vst.msk $0xffff, v2  }
0x3f: {  	s20 =	sshra.s32 s18, $0x2;
	s18 =	smov.u32 s19;
	v7 =	vld [tilespmem:s16+$0xFFFFFFF0];
	[tilespmem:s17+$0x3060 ss:$0x81] =	vst.msk $0xffff, v3  }
.Ltmp3:
0x40: {  	v1 =	vld [tilespmem:s16+$0x0];
	[tilespmem:s17+$0x0 ss:$0x81] =	vst.msk $0xffff, v0;
	s17 =	sadd.s32 s20, s15;
	(pc) =	sbr.rel @p1 .LBB1_3-.Ltmp3, $4  }
0x41: {  	v2 =	vld [tilespmem:s16+$0x10];
	[tilespmem:s17+$0x3870 ss:$0x81] =	vst.msk $0xffff, v4  }
0x42: {  	[tilespmem:s17+$0x810 ss:$0x81] =	vst.msk $0xffff, v5;
	v3 =	vld [tilespmem:s16+$0x20]  }
0x43: {  	v0 =	vld [tilespmem:s16+$0xFFFFFFC0];
	[tilespmem:s17+$0x1020 ss:$0x81] =	vst.msk $0xffff, v6;
	s16 =	sadd.s32 $0x80, s16  }
0x44: {  	s19 =	sadd.s32 $0x4, s19;
	v4 =	vld [tilespmem:s16+$0x30];
	[tilespmem:s17+$0x1830 ss:$0x81] =	vst.msk $0xffff, v7  }
.Ltmp4:
0x45: {  	_ = 	snop;
	(pc) =	sbr.rel .LBB1_4-.Ltmp4, $1  }
0x46: {  	_ =	sdelay $0x3  }
.LBB1_6:
0x47: {  	_ =	sfence.sel $0x180000  }
0x48: {  	s2 =	simm.s32 $0x1;
	[bflag:$0x0] =	sbarrier.arrive $0xFFFF  }
0x49: {  	s31 =	simm.s32 $0x2;
	[sflag:s2] =	ssyncpa.u1 $0x1  }
0x4a: {  	[sflag:s31] =	ssyncpa.u1 $0x1  }
0x4b: {  	p0 =	sne.s32 s0, $0x0;
	_ =	strace $0x9000004A  }
0x4c: {  	s0 =	sadd.s32 @!p0 $0x100000, s1;
	[bflag:$0x2] =	sbarrier.arrive $0xFFFF  }
0x4d: {  	[sflag:s0] =	ssyncadd.tile.s32 @!p0 $0x1;
	_ =	shalt  }
.Lfunc_end1:
_tile_overlayer_lowered:
.L_overlay_start_2:
0x4e: {  	(tag) =	ssettag $0x2  }
0x4f: {  	s0 =	rddreg [dreg:$0x0];
	s2 =	stileid.u32  }
0x50: {  	s1 =	rddreg [dreg:$0x1];
	p0 =	sne.s32 s2, $0x0  }
0x51: {  	s3 =	rddreg [dreg:$0x2];
	[bflag:$0x3] =	sbarrier.arrive $0xFFFF;
	s2 =	simm.s32 @!p0 $0x1C01  }
0x52: {  	[timem:s3], [sflag:s2] =	dma.local @!p0 [hbm:s0], s1  }
0x53: {  	s0 =	simm.s32 @!p0 $0x1  }
0x54: {  	_ =	swait.ge @!p0 [sflag:s0], s1  }
0x55: {  	s1 =	ssub.s32 @!p0 $0x0, s1;
	[sflag:s0] =	ssyncset.done @!p0 $0x0  }
0x56: {  	[sflag:s0] =	ssyncadd.s32 @!p0 s1  }
0x57: {  	[bflag:$0x3] =	sbarrier.arrive $0xFFFF  }
0x58: {  	_ =	shalt  }

// kernel: sparse-core-data-format-call.cloned.1.call-start
scs
called_computation_lowered:
.L_overlay_start_0:
0x0: {  	s2 =	sld [smem:$0x3FD9]  }
0x1: {  	s3 =	sld [smem:$0x3FFE];
	_ =	sdelay $0x1  }
0x2: {  	s1 =	srdreg.scid  }
0x3: {  	s0 =	sand.u32 $0x1, s1  }
0x4: {  	s16 =	sshll.u32 s0, $0xA;
	s2 =	sadd.s32 s3, s2  }
0x5: {  	s2 =	sadd.s32 s2, s16  }
0x6: {  	[smem:$0x3FA7] =	sst s2  }
0x7: {  	_ = 	snop  }
0x8: {  	s2 =	sld [smem:$0x3FD0];
	_ =	sdelay $0x2  }
0x9: {  	s17 =	simm.s32 $0xC;
	s4 =	simm.s32 $0x10  }
0xa: {  	[smem:s4], [sflag:s17] =	dma.local [hbm:s2], $0x1  }
0xb: {  	_ =	swait.eq [sflag:s17], $0x1  }
0xc: {  	[sflag:s17] =	ssyncset.done $0x0  }
0xd: {  	[sflag:s17] =	ssyncadd.s32 $0xFFFFFFFF  }
0xe: {  	s18 =	sld [smem:$0x10];
	(tm) =	ssettm $0x1  }
0xf: {  	s19 =	sld [smem:$0x3FFB];
	_ =	sdelay $0x3  }
0x10: {  	_ =	strace s19  }
0x11: {  	s2 =	sld [smem:$0x3FFC];
	_ =	sdelay $0x3  }
0x12: {  	_ =	strace s2  }
0x13: {  	s2 =	sld [smem:$0x3FFD];
	_ =	sdelay $0x3  }
0x14: {  	_ =	strace s2  }
0x15: {  	_ =	strace $0x8FFFFFFF  }
0x16: {  	s20 =	sld [smem:$0x3FDB];
	_ =	sdelay $0x1  }
0x17: {  	s21 =	simm.s32 $_scs_section_size  }
0x18: {  	s5 =	simm.s32 $_size__tile_overlayer_lowered;
	s6 =	simm.s32 $_tile_overlayer_lowered  }
0x19: {  	s7 =	simm.s32 $0x1BFF;
	s22 =	sshll.u32 s6, $0x1;
	s4 =	sadd.s32 s21, s20  }
0x1a: {  	s23 =	simm.s32 $0x0;
	s5 =	sshll.u32 s5, $0x1;
	s6 =	sadd.s32 s22, s4  }
0x1b: {  	[timem:s23], [sflag:s7] =	dma.local [hbm:s6], s5  }
0x1c: {  	_ =	swait.ge [sflag:s7], s5  }
0x1d: {  	s5 =	ssub.s32 $0x0, s5;
	[sflag:s7] =	ssyncset.done $0x0  }
0x1e: {  	[sflag:s7] =	ssyncadd.s32 s5;
	_ =	sdelay $0x1  }
0x1f: {  	s24 =	simm.s32 $0x1B8B  }
0x20: {  	_ =	swait.ge [sflag:s24], $0x1  }
0x21: {  	[sflag:s24] =	ssyncset.done $0x0  }
0x22: {  	[sflag:s24] =	ssyncadd.s32 $0xFFFFFFFF  }
0x23: {  	s5 =	sld [smem:$0x0]  }
0x24: {  	s6 =	sand.u32 $0xFFFFFFFE, s1  }
0x25: {  	p0 =	sne.s32 s1, s6  }
0x26: {  	s6 =	sshll.u32 @p0 s6, $0xE  }
0x27: {  	s6 =	sadd.s32 @p0 $0x11B8D, s6;
	s7 =	sshll.u32 @p0 s5, $0x11  }
0x28: {  	s6 =	sor.u32 @p0 s7, s6  }
0x29: {  	[sflag:s6] =	ssyncadd.remote.s32 @p0 $0x1;
	_ =	sdelay $0x1  }
0x2a: {  	s6 =	simm.s32 @p0 $0x1B8D  }
0x2b: {  	_ =	swait.eq @p0 [sflag:s6], $0x1  }
0x2c: {  	[sflag:s6] =	ssyncadd.s32 @p0 $0xFFFFFFFF  }
0x2d: {  	s7 =	sshll.u32 @!p0 s1, $0xE  }
0x2e: {  	s7 =	sor.u32 @!p0 $0x4000, s7;
	s6 =	simm.s32 @!p0 $0x1B8D  }
0x2f: {  	s5 =	sshll.u32 @!p0 s5, $0x11;
	s7 =	sadd.s32 @!p0 $0x11B8D, s7;
	_ =	swait.eq @!p0 [sflag:s6], $0x1  }
0x30: {  	s5 =	sor.u32 @!p0 s5, s7;
	[sflag:s6] =	ssyncadd.s32 @!p0 $0xFFFFFFFF  }
0x31: {  	s26 =	simm.s32 $0x1B8E;
	s25 =	sld [smem:$0x3FFE];
	[sflag:s5] =	ssyncadd.remote.s32 @!p0 $0x1  }
0x32: {  	s27 =	simm.s32 $execute0_lowered;
	[smem:$0x3FD2] =	sst s26  }
0x33: {  	s6 =	sshll.u32 s27, $0x1;
	_ =	strace $0x80000055;
	[dreg:$0x1] =	wrdreg $0xFFFFFFFF  }
0x34: {  	s28 =	simm.s32 $_size_execute0_lowered;
	s4 =	sadd.s32 s4, s6;
	[dreg:$0x0] =	wrdreg $0x0  }
0x35: {  	s6 =	sshll.u32 s28, $0x1;
	[dreg:$0x2] =	wrdreg s4  }
0x36: {  	[dreg:$0x3] =	wrdreg s6  }
0x37: {  	[dreg:$0x4] =	wrdreg $0xC0  }
0x38: {  	_ =	task [dreg:s23], $0x5FFFF  }
0x39: {  	[dreg:$0x1] =	wrdreg $0xFFFFFFFF  }
0x3a: {  	[dreg:$0x0] =	wrdreg $0x60  }
0x3b: {  	[dreg:$0x2] =	wrdreg s25  }
0x3c: {  	[dreg:$0x3] =	wrdreg s18  }
0x3d: {  	[dreg:$0x4] =	wrdreg $0x9  }
0x3e: {  	_ =	task.clear_ibuf [dreg:s23], $0x5FFFF;
	_ =	strace $0x90000055  }
0x3f: {  	s29 =	simm.s32 $0x9;
	_ =	strace $0x80000057  }
0x40: {  	_ =	swait.ge [sflag:s29], $0x1  }
0x41: {  	[sflag:s29] =	ssyncadd.s32 $0xFFFFFFFF  }
0x42: {  	_ =	strace $0x90000057  }
0x43: {  	_ =	sfence  }
0x44: {  	s30 =	sld [smem:$0x0];
	_ =	sdelay $0x2  }
0x45: {  	s31 =	sshll.u32 s1, $0xD;
	s1 =	sshrl.u32 s1, $0x2  }
0x46: {  	s4 =	sand.u32 $0x4000, s31;
	s1 =	sadd.s32 s1, s30  }
0x47: {  	s0 =	sor.u32 s4, s0;
	s1 =	sshll.u32 s1, $0x11  }
0x48: {  	s0 =	sor.u32 s1, s0  }
0x49: {  	s0 =	sadd.s32 $0x8F2B, s0  }
0x4a: {  	[sflag:s0] =	ssyncadd.remote.s32 $0x1  }
0x4b: {  	_ =	sfence.sel $0xFFFF  }
0x4c: {  	[dreg:$0x0] =	wrdreg $0xFFFFFFFF;
	(pc) =	sbr.abs _section_cstart, $3  }
0x4d: {  	[dreg:$0x1] =	wrdreg $0xFFFFFFFF  }
0x4e: {  	_ =	task.clear_ibuf [dreg:s23], $0x2FFFF;
	_ =	strace $0x9FFFFFFF  }
0x4f: {  	(tm) =	ssettm $0x7FFFFFFF  }
tec
execute0_lowered:
.L_overlay_start_1:
0x0: {  	(tag) =	ssettag $0x1  }
0x1: {  	s8 =	rddreg [dreg:$0x0]  }
0x2: {  	s0 =	stileid.u32;
	s1 =	rddreg [dreg:$0x1]  }
0x3: {  	s3 =	srdreg.scid;
	s31 =	simm.s32 $0x2;
	s17 =	simm.s32 $0x0  }
0x4: {  	s16 =	simm.s32 $0x0;
	s15 =	simm.s32 $0x0;
	s14 =	simm.s32 $0x0  }
0x5: {  	s2 =	sshll.u32 s0, $0x7;
	s4 =	sshrl.u32 s0, $0x1;
	s5 =	sshll.u32 s0, $0x5  }
0x6: {  	s6 =	sshll.u32 s3, $0x9;
	s8 =	sadd.s32 $0x7C00, s8;
	s2 =	sand.u32 $0x80, s2  }
0x7: {  	s3 =	sand.u32 $0x1, s4;
	s25 =	sor.u32 s5, s6;
	s7 =	ssub.s32 $0x100, s2  }
0x8: {  	s4 =	sand.u32 $0x380, s25;
	s28 =	ssub.s32 $0x2, s3;
	s12 =	smov.u32 s3  }
0x9: {  	s26 =	sshrl.u32 s7, $0x7;
	s27 =	sshrl.u32 s7, $0x8;
	s29 =	ssub.s32 $0x4000, s4  }
0xa: {  	s9 =	sshrl.u32 s28, $0x1;
	s6 =	sand.u32 $0x1, s28;
	s5 =	sand.u32 $0x1, s26  }
0xb: {  	s10 =	sand.u32 $0x380, s29;
	s6 =	sadd.s32 s6, s9;
	s5 =	sadd.s32 s27, s5  }
0xc: {  	s9 =	simm.s32 $0x1;
	p0 =	sne.s32 s10, $0x0;
	s30 =	smul.u32 s6, s5  }
.Ltmp0:
0xd: {  	s7 =	sshrl.u32 s29, $0xA;
	s9 =	simm.s32 @!p0 $0x0;
	(pc) =	sbr.rel .LBB1_1-.Ltmp0, $4  }
0xe: {  	s13 =	smov.u32 s2;
	s5 =	rddreg [dreg:$0x2];
	s7 =	sadd.s32 s9, s7  }
0xf: {  	_ =	strace $0x80000056;
	s6 =	simm.s32 $0x1;
	s7 =	smul.u32 s7, s30  }
0x10: {  	s11 =	smov.u32 s4;
	s10 =	simm.s32 $0x800;
	[sflag:s6] =	ssyncpa.u1 $0x0  }
0x11: {  	p0 =	por $0x0, $0x0;
	[sflag:s31] =	ssyncpa.u1 $0x0;
	s9 =	sadd.s32 $0x1, s7  }
.LBB1_4:
0x12: {  	v5 =	vld [tilespmem:s21+$0xFFFFFFD0]  }
0x13: {  	[tilespmem:s19+$0x2040 ss:$0x81] =	vst.msk $0xffff, v1;
	v58 =	vld [tilespmem:s21+$0xFFFFFFE0]  }
0x14: {  	[tilespmem:s19+$0x2850 ss:$0x81] =	vst.msk $0xffff, v2;
	v59 =	vld [tilespmem:s21+$0xFFFFFFF0]  }
0x15: {  	s22 =	sshra.s32 s22, $0x2;
	[tilespmem:s19+$0x3060 ss:$0x81] =	vst.msk $0xffff, v3;
	v60 =	vld [tilespmem:s21+$0x0]  }
0x16: {  	v61 =	vld [tilespmem:s21+$0x10];
	[tilespmem:s19+$0x0 ss:$0x81] =	vst.msk $0xffff, v0;
	s20 =	sadd.s32 s22, s20  }
0x17: {  	s25 =	sshll.u32 s17, $0x8;
	v62 =	vld [tilespmem:s21+$0x20];
	[tilespmem:s20+$0x3870 ss:$0x81] =	vst.msk $0xffff, v4  }
0x18: {  	s23 =	sshll.u32 s15, $0x3;
	v63 =	vld [tilespmem:s21+$0xFFFFFFC0];
	s30 =	sand.u32 $0x78, s15;
	s16 =	sshll.u32 s16, $0x13;
	[tilespmem:s20+$0x810 ss:$0x81] =	vst.msk $0xffff, v5  }
0x19: {  	s28 =	sshll.u32 s17, $0x7;
	s26 =	sand.u32 $0x3FF800, s25;
	s27 =	sand.u32 $0x3FFC00, s23;
	[tilespmem:s20+$0x1020 ss:$0x81] =	vst.msk $0xffff, v58  }
0x1a: {  	s29 =	sand.u32 $0x300, s28;
	s17 =	sand.u32 $0x80, s28;
	s19 =	sadd.s32 s27, s26;
	[tilespmem:s20+$0x1830 ss:$0x81] =	vst.msk $0xffff, v59  }
0x1b: {  	s31 =	sand.u32 $0x7, s15;
	s17 =	sor.u32 s30, s17;
	s19 =	sor.u32 s29, s19;
	[tilespmem:s20+$0x2040 ss:$0x81] =	vst.msk $0xffff, v60  }
0x1c: {  	s16 =	sadd.s32 s1, s16;
	s17 =	sshrl.u32 s17, $0x3;
	s19 =	sshrl.u32 s19, $0x3;
	[tilespmem:s20+$0x2850 ss:$0x81] =	vst.msk $0xffff, v61  }
0x1d: {  	s15 =	sshll.u32 s31, $0x12;
	s16 =	sadd.s32 s17, s16;
	[tilespmem:s20+$0x3060 ss:$0x81] =	vst.msk $0xffff, v62;
	s19 =	sand.u32 $0x7FFE0, s19  }
0x1e: {  	s15 =	sor.u32 $0x400, s15;
	[tilespmem:s20+$0x0 ss:$0x81] =	vst.msk $0xffff, v63;
	s16 =	sadd.s32 s19, s16  }
0x1f: {  	[hbm4b:s16+s15] =	stream.strided.scatter [tilespmem:s18], [sflag:$0x2], $0x4000, s10, s15, $0x20;
	[tilespmem:$0x10100] =	vst v63  }
.LBB1_5:
0x20: {  	s18 =	sadd.s32 $0x400, s11  }
0x21: {  	s15 =	sadd.s32 $0x2, s12;
	s19 =	smov.u32 s12;
	p2 =	sgt.s32 s18, $0x3FFF  }
0x22: {  	s19 =	smov.u32 @p2 s15  }
0x23: {  	s21 =	smov.u32 s13;
	s15 =	sadd.s32 $0x100, s13;
	p3 =	sgt.s32 s19, $0x1  }
0x24: {  	s21 =	smov.u32 @p3 s15  }
0x25: {  	s18 =	smov.u32 @p2 s4;
	p2 =	sgt.s32 s21, $0xFF  }
0x26: {  	p1 =	slt.u32 s14, $0x2;
	s21 =	smov.u32 @p2 s2;
	p2 =	sne.s32 s14, s9  }
.Ltmp1:
0x27: {  	s20 =	simm.s32 @!p1 $0x2;
	(pc) =	sbr.rel @!p2 .LBB1_6-.Ltmp1, $4  }
0x28: {  	s17 =	smov.u32 s11;
	s16 =	smov.u32 s12;
	_ =	swait.ge @!p1 [sflag:s20], $0x4000  }
0x29: {  	p0 =	por !p0, !p0;
	[sflag:s20] =	ssyncset.done @!p1 $0x0;
	s11 =	smov.u32 s18  }
0x2a: {  	s19 =	smov.u32 @p3 s3;
	s15 =	smov.u32 s13;
	[sflag:s20] =	ssyncadd.s32 @!p1 $0xFFFFC000  }
0x2b: {  	s12 =	smov.u32 s19;
	s14 =	sadd.s32 $0x1, s14;
	s13 =	smov.u32 s21  }
.LBB1_1:
0x2c: {  	p1 =	sge.u32 s14, s7  }
0x2d: {  	s18 =	sshll.u32 @!p1 s12, $0x7  }
0x2e: {  	s19 =	sand.u32 @!p1 $0x78, s11;
	s20 =	sshll.u32 @!p1 s11, $0x1;
	s18 =	sand.u32 @!p1 $0x80, s18  }
0x2f: {  	s31 =	sadd.s32 $0xFFFFFFFF, s14;
	s20 =	sand.u32 @!p1 $0x3F00, s20;
	s18 =	sor.u32 @!p1 s18, s19  }
0x30: {  	s19 =	sshll.u32 @!p1 s13, $0xC;
	s18 =	sor.u32 @!p1 s20, s18;
	s20 =	sshrl.u32 @!p1 s11, $0x2  }
0x31: {  	s21 =	sxor.u32 @!p1 $0xFFFFFFFF, s14;
	s19 =	sadd.s32 @!p1 s8, s19;
	s20 =	sand.u32 @!p1 $0x800, s20  }
0x32: {  	s21 =	sshll.u32 @!p1 s21, $0xE;
	s19 =	sadd.s32 @!p1 s20, s19;
	s20 =	sand.u32 @!p1 $0x7, s11  }
0x33: {  	s21 =	sand.u32 @!p1 $0x4000, s21;
	s18 =	sshrl.u32 @!p1 s18, $0x3;
	s20 =	sshll.u32 @!p1 s20, $0x12  }
0x34: {  	s18 =	sadd.s32 @!p1 s18, s19;
	s19 =	sor.u32 @!p1 $0x80, s20;
	s20 =	simm.s32 @!p1 $0x8000  }
0x35: {  	[tilespmem:s21], [sflag:$0x1] =	stream.strided.gather @!p1 [hbm4b:s18+s19], $0x4000, s20, s19, $0x38;
	[tilespmem:$0x10100] =	vst v63  }
0x36: {  	p1 =	sge.u32 s31, s7  }
.Ltmp2:
0x37: {  	_ = 	snop;
	(pc) =	sbr.rel @p1 .LBB1_5-.Ltmp2, $1  }
0x38: {  	_ =	sdelay $0x3  }
0x39: {  	s18 =	simm.s32 $0x1  }
0x3a: {  	_ =	swait.ge [sflag:s6], $0x4000;
	s18 =	simm.s32 @!p0 $0x0  }
0x3b: {  	[sflag:s6] =	ssyncset.done $0x0;
	s19 =	sshll.u32 s18, $0xE  }
0x3c: {  	[sflag:s6] =	ssyncadd.s32 $0xFFFFC000;
	s21 =	sor.u32 $0x40, s19  }
0x3d: {  	s18 =	smul.u32 $0x10200, s18;
	v0 =	vld [tilespmem:s21+$0x30]  }
0x3e: {  	v3 =	vld [tilespmem:s21+$0xFFFFFFD0]  }
0x3f: {  	s18 =	sshrl.u32 s18, $0x2;
	v4 =	vld [tilespmem:s21+$0xFFFFFFE0]  }
0x40: {  	v5 =	vld [tilespmem:s21+$0xFFFFFFF0];
	s20 =	sor.u32 $0x8000, s18  }
0x41: {  	s31 =	sand.u32 $0x1, s14;
	v1 =	vld [tilespmem:s21+$0x0];
	s19 =	sadd.s32 $0x0, s20  }
0x42: {  	v2 =	vld [tilespmem:s21+$0x10];
	s18 =	smul.u32 $0x10200, s31;
	[tilespmem:s19+$0x3870 ss:$0x81] =	vst.msk $0xffff, v0  }
0x43: {  	[tilespmem:s19+$0x810 ss:$0x81] =	vst.msk $0xffff, v3;
	v3 =	vld [tilespmem:s21+$0x20]  }
0x44: {  	s18 =	sshrl.u32 s18, $0x2;
	v0 =	vld [tilespmem:s21+$0xFFFFFFC0];
	[tilespmem:s19+$0x1020 ss:$0x81] =	vst.msk $0xffff, v4;
	s21 =	sadd.s32 $0x80, s21  }
0x45: {  	s22 =	simm.s32 $0x4;
	s23 =	simm.s32 $0x8;
	s18 =	sor.u32 $0x8000, s18;
	[tilespmem:s19+$0x1830 ss:$0x81] =	vst.msk $0xffff, v5;
	v4 =	vld [tilespmem:s21+$0x30]  }
.LBB1_3:
0x46: {  	p1 =	sne.s32 s23, $0x1FC;
	v5 =	vld [tilespmem:s21+$0xFFFFFFD0];
	[tilespmem:s19+$0x2040 ss:$0x81] =	vst.msk $0xffff, v1  }
0x47: {  	v6 =	vld [tilespmem:s21+$0xFFFFFFE0];
	[tilespmem:s19+$0x2850 ss:$0x81] =	vst.msk $0xffff, v2  }
0x48: {  	s24 =	sshra.s32 s22, $0x2;
	s22 =	smov.u32 s23;
	v7 =	vld [tilespmem:s21+$0xFFFFFFF0];
	[tilespmem:s19+$0x3060 ss:$0x81] =	vst.msk $0xffff, v3  }
.Ltmp3:
0x49: {  	v1 =	vld [tilespmem:s21+$0x0];
	[tilespmem:s19+$0x0 ss:$0x81] =	vst.msk $0xffff, v0;
	s19 =	sadd.s32 s24, s20;
	(pc) =	sbr.rel @p1 .LBB1_3-.Ltmp3, $4  }
0x4a: {  	v2 =	vld [tilespmem:s21+$0x10];
	[tilespmem:s19+$0x3870 ss:$0x81] =	vst.msk $0xffff, v4  }
0x4b: {  	[tilespmem:s19+$0x810 ss:$0x81] =	vst.msk $0xffff, v5;
	v3 =	vld [tilespmem:s21+$0x20]  }
0x4c: {  	v0 =	vld [tilespmem:s21+$0xFFFFFFC0];
	[tilespmem:s19+$0x1020 ss:$0x81] =	vst.msk $0xffff, v6;
	s21 =	sadd.s32 $0x80, s21  }
0x4d: {  	s23 =	sadd.s32 $0x4, s23;
	v4 =	vld [tilespmem:s21+$0x30];
	[tilespmem:s19+$0x1830 ss:$0x81] =	vst.msk $0xffff, v7  }
.Ltmp4:
0x4e: {  	_ = 	snop;
	(pc) =	sbr.rel .LBB1_4-.Ltmp4, $1  }
0x4f: {  	_ =	sdelay $0x3  }
.LBB1_6:
0x50: {  	_ =	sfence.sel $0x180000  }
0x51: {  	s1 =	simm.s32 $0x1;
	[bflag:$0x0] =	sbarrier.arrive $0xFFFF  }
0x52: {  	s31 =	simm.s32 $0x2;
	[sflag:s1] =	ssyncpa.u1 $0x1  }
0x53: {  	[sflag:s31] =	ssyncpa.u1 $0x1  }
0x54: {  	p0 =	sne.s32 s0, $0x0;
	_ =	strace $0x90000056  }
0x55: {  	s0 =	sadd.s32 @!p0 $0x100000, s5;
	[bflag:$0x2] =	sbarrier.arrive $0xFFFF  }
0x56: {  	[sflag:s0] =	ssyncadd.tile.s32 @!p0 $0x1;
	_ =	shalt  }
.Lfunc_end1:
_tile_overlayer_lowered:
.L_overlay_start_2:
0x57: {  	(tag) =	ssettag $0x2  }
0x58: {  	s0 =	rddreg [dreg:$0x0];
	s2 =	stileid.u32  }
0x59: {  	s1 =	rddreg [dreg:$0x1];
	p0 =	sne.s32 s2, $0x0  }
0x5a: {  	s3 =	rddreg [dreg:$0x2];
	[bflag:$0x3] =	sbarrier.arrive $0xFFFF;
	s2 =	simm.s32 @!p0 $0x1C01  }
0x5b: {  	[timem:s3], [sflag:s2] =	dma.local @!p0 [hbm:s0], s1  }
0x5c: {  	s0 =	simm.s32 @!p0 $0x1  }
0x5d: {  	_ =	swait.ge @!p0 [sflag:s0], s1  }
0x5e: {  	s1 =	ssub.s32 @!p0 $0x0, s1;
	[sflag:s0] =	ssyncset.done @!p0 $0x0  }
0x5f: {  	[sflag:s0] =	ssyncadd.s32 @!p0 s1  }
0x60: {  	[bflag:$0x3] =	sbarrier.arrive $0xFFFF  }
0x61: {  	_ =	shalt  }

</sc_bundles>
